<compile_context>
chip_gen: v7x
topology: tpu7x:2x2x1
jax: 0.10.2.dev20260603
libtpu: 0.0.44.dev20260713+nightly
codegen_flags: <defaults>
</compile_context>

<pallas_src>
import functools

import jax
import jax.numpy as jnp
from jax import lax
from jax.experimental import pallas as pl
from jax.experimental.pallas import tpu as pltpu
from jax.experimental.pallas import tpu_sc as plsc

_VOCAB = 1000000
_EMBED_DIM = 64
_BATCH = 16384

_NUM_WORKERS = 32
_SEG = _BATCH // _NUM_WORKERS
_FULLBLK = _VOCAB // 128
_TAIL0 = _FULLBLK * 128
_SPAN = 256
_MAXJ = _FULLBLK - 2
_RCAP = _SEG + 16


def _embed_lookup_sorted(sidx, table_cm, tail_tab):
    mesh = plsc.VectorSubcoreMesh(core_axis_name="c", subcore_axis_name="s")

    @functools.partial(
        pl.kernel,
        out_type=jax.ShapeDtypeStruct((_BATCH, _EMBED_DIM), jnp.float32),
        mesh=mesh,
        scratch_types=[
            pltpu.VMEM((_SEG + 16,), jnp.int32),
            pltpu.VMEM((_RCAP,), jnp.int32),
            pltpu.VMEM((_RCAP,), jnp.int32),
            pltpu.VMEM((_EMBED_DIM, _EMBED_DIM), jnp.float32),
            pltpu.VMEM((_EMBED_DIM, _SPAN), jnp.float32),
            pltpu.VMEM((_EMBED_DIM, _SPAN), jnp.float32),
            pltpu.VMEM((_EMBED_DIM, _SPAN), jnp.float32),
            pltpu.VMEM((_SEG, _EMBED_DIM), jnp.float32),
            pltpu.SemaphoreType.DMA,
            pltpu.SemaphoreType.DMA,
            pltpu.SemaphoreType.DMA,
        ],
        compiler_params=pltpu.CompilerParams(needs_layout_passes=False),
    )
    def body(sidx_hbm, tab_hbm, tail_hbm, out_hbm,
             sv, rblk, rpos, tailv, bufa, bufb, bufc, outb, sema, semb, semc):
        wid = lax.axis_index("s") * 2 + lax.axis_index("c")
        base = wid * _SEG
        pltpu.sync_copy(sidx_hbm.at[pl.ds(base, _SEG)], sv.at[pl.ds(0, _SEG)])
        pltpu.sync_copy(tail_hbm, tailv)

        e16 = lax.iota(jnp.int32, 16)
        z16 = jnp.zeros((16,), jnp.int32)
        lane0 = e16 == 0

        def emit(slot, blk, pos):
            plsc.store_scatter(rblk, [z16 + slot], z16 + blk, mask=lane0)
            plsc.store_scatter(rpos, [z16 + slot], z16 + pos, mask=lane0)

        v0 = sv[pl.ds(0, 16)][0]
        j0 = jnp.minimum(lax.shift_right_logical(v0, 7), _MAXJ)
        emit(0, j0, 0)
        pltpu.async_copy(
            tab_hbm.at[:, pl.ds(pl.multiple_of(j0 * 128, 128), _SPAN)], bufa, sema
        )

        def walk(p, carry):
            n, cur = carry
            v = sv[pl.ds(p, 16)][0]
            j = jnp.minimum(lax.shift_right_logical(v, 7), _MAXJ)
            new = j > cur + 1

            @pl.when(new)
            def _():
                emit(n, j, p)

            return jnp.where(new, n + 1, n), jnp.where(new, j, cur)

        n_runs, _unused = lax.fori_loop(1, _SEG, walk, (jnp.int32(1), j0))
        emit(n_runs, 0, _SEG)

        def span_off(i):
            jb = rblk[pl.ds(i, 16)][0]
            return jb, pl.multiple_of(jb * 128, 128)

        def fetch(i, buf, sem):
            _jb, off = span_off(i)
            pltpu.async_copy(tab_hbm.at[:, pl.ds(off, _SPAN)], buf, sem)

        def drain(buf, sem):
            pltpu.make_async_copy(tab_hbm.at[:, pl.ds(0, _SPAN)], buf, sem).wait()

        def extract(i, buf):
            jb, _off = span_off(i)
            p_lo = rpos[pl.ds(i, 16)][0]
            p_hi = rpos[pl.ds(i + 1, 16)][0]
            cbase = jb * 128

            def pos_step(p, c2):
                v = sv[pl.ds(p, 16)][0]
                cmain = z16 + jnp.clip(v - cbase, 0, _SPAN - 1)
                ctail = z16 + jnp.clip(v - _TAIL0, 0, _EMBED_DIM - 1)
                is_tail = jnp.broadcast_to(v >= _TAIL0, (16,))
                for q in range(4):
                    xm = plsc.load_gather(buf, [e16 + q * 16, cmain])
                    xt = plsc.load_gather(tailv, [e16 + q * 16, ctail])
                    outb[p, pl.ds(q * 16, 16)] = jnp.where(is_tail, xt, xm)
                return c2

            lax.fori_loop(p_lo, p_hi, pos_step, 0)

        ring = [(bufa, sema), (bufb, semb), (bufc, semc)]

        @pl.when(n_runs > 1)
        def _():
            fetch(1, bufb, semb)

        def tri_step(m, carry):
            for k in range(3):
                i = m * 3 + k
                buf, sem = ring[k]
                nbuf, nsem = ring[(k + 2) % 3]

                @pl.when(i < n_runs)
                def _(i=i, buf=buf, sem=sem, nbuf=nbuf, nsem=nsem):
                    drain(buf, sem)

                    @pl.when(i + 2 < n_runs)
                    def _():
                        fetch(i + 2, nbuf, nsem)

                    extract(i, buf)

            return carry

        lax.fori_loop(0, (n_runs + 2) // 3, tri_step, 0)
        pltpu.sync_copy(outb, out_hbm.at[pl.ds(base, _SEG)])

    return body(sidx, table_cm, tail_tab)


def kernel(indices, embed):
    idx32 = indices.astype(jnp.int32)
    sidx, order = lax.sort(
        (idx32, jnp.arange(_BATCH, dtype=jnp.int32)), num_keys=1
    )
    inv = jnp.argsort(order).astype(jnp.int32)
    tail_tab = embed[_TAIL0:].T
    out_sorted = _embed_lookup_sorted(sidx, embed.T, tail_tab)
    return out_sorted.at[inv].get(mode="promise_in_bounds", unique_indices=True)

# --- scband reference (transcript-rebuilt; emitter-appended) ---
"""Pipeline reference for scband-embed-16381005267545 (READ-ONLY COPY).

The authoritative reference and input builder live on the scoring server;
editing this copy changes nothing except your own understanding.
"""

import jax, jax.numpy as jnp
import numpy as np

VOCAB = 1000000
EMBED_DIM = 64
BATCH = 16384


def setup_inputs(seed: int = 0) -> dict:
    key = jax.random.key(seed)
    k1, _ = jax.random.split(key)
    indices = jax.random.randint(k1, (BATCH,), 0, VOCAB, dtype=jnp.int64 if jax.config.jax_enable_x64 else jnp.int32)
    # Module initializes the embedding parameter to ones: torch.ones(embed_shape)
    embed = jnp.ones((VOCAB, EMBED_DIM), dtype=jnp.float32)
    return {"indices": indices, "embed": embed}


def reference(indices, embed):
    # Faithful batched version of Embed.pred: self.embed[indices]
    # __call__ validates/records indices; pred performs the actual table lookup.
    return jnp.take(embed, indices, axis=0)

if __name__ == "__main__":
    import jax
    _d = setup_inputs()
    print(jax.jit(kernel)(*tuple(_d.values())))

</pallas_src>

<mosaic_0001>
#map = affine_map<(d0, d1) -> (0)>
#map1 = affine_map<(d0, d1) -> (0, 0)>
module attributes {stable_mosaic.version = 14 : i64} {
  func.func @body(%arg0: i32, %arg1: i32, %arg2: memref<16384xi32, #tpu.memory_space<hbm>>, %arg3: memref<64x1000000xf32, #tpu.memory_space<hbm>>, %arg4: memref<64x64xf32, #tpu.memory_space<hbm>>, %arg5: memref<16384x64xf32, #tpu.memory_space<hbm>>, %arg6: memref<528xi32, #tpu.memory_space<vmem>>, %arg7: memref<528xi32, #tpu.memory_space<vmem>>, %arg8: memref<528xi32, #tpu.memory_space<vmem>>, %arg9: memref<64x64xf32, #tpu.memory_space<vmem>>, %arg10: memref<64x256xf32, #tpu.memory_space<vmem>>, %arg11: memref<64x256xf32, #tpu.memory_space<vmem>>, %arg12: memref<64x256xf32, #tpu.memory_space<vmem>>, %arg13: memref<512x64xf32, #tpu.memory_space<vmem>>, %arg14: memref<!tpu.dma_semaphore, #tpu.memory_space<semaphore_mem>>, %arg15: memref<!tpu.dma_semaphore, #tpu.memory_space<semaphore_mem>>, %arg16: memref<!tpu.dma_semaphore, #tpu.memory_space<semaphore_mem>>) attributes {dimension_semantics = [#tpu.dimension_semantics<core_parallel>, #tpu.dimension_semantics<subcore_parallel>], iteration_bounds = array<i64: 2, 16>, scalar_prefetch = 0 : i64, scratch_operands = 11 : i64, tpu.core_type = #tpu.core_type<sc_vector_subcore>, window_params = [{transform_indices = #map}, {transform_indices = #map1}, {transform_indices = #map1}, {transform_indices = #map1}]} {
    %mul3A = arith.constant 2 : i32
    %mul3A_0 = arith.muli %arg1, %mul3A : i32
    %add3A = arith.addi %mul3A_0, %arg0 : i32
    %mul3A_1 = arith.constant 512 : i32
    %mul3A_2 = arith.muli %add3A, %mul3A_1 : i32
    "tpu.region"() ({
      %run_scoped3A = tpu.sem_alloc : memref<!tpu.dma_semaphore, #tpu.memory_space<semaphore_mem>>
      %dma_start3A_70 = arith.constant 0 : i32
      %dma_start3A_71 = tpu.memref_slice %arg6[%dma_start3A_70] : memref<528xi32, #tpu.memory_space<vmem>> -> memref<512xi32, #tpu.memory_space<vmem>>
      %dma_start3A_72 = tpu.memref_slice %arg2[%mul3A_2] : memref<16384xi32, #tpu.memory_space<hbm>> -> memref<512xi32, #tpu.memory_space<hbm>>
      %dma_start3A_73 = arith.constant 0 : i32
      %dma_start3A_74 = tpu.memref_slice %arg6[%dma_start3A_73] : memref<528xi32, #tpu.memory_space<vmem>> -> memref<512xi32, #tpu.memory_space<vmem>>
      %dma_start3A_75 = tpu.memref_slice %arg2[%mul3A_2] : memref<16384xi32, #tpu.memory_space<hbm>> -> memref<512xi32, #tpu.memory_space<hbm>>
      tpu.enqueue_dma source(%dma_start3A_75 : memref<512xi32, #tpu.memory_space<hbm>>) target(%dma_start3A_74 : memref<512xi32, #tpu.memory_space<vmem>>) target_semaphore(%run_scoped3A : memref<!tpu.dma_semaphore, #tpu.memory_space<semaphore_mem>>)
      %dma_wait3A = arith.constant 0 : i32
      %dma_wait3A_76 = tpu.memref_slice %arg6[%dma_wait3A] : memref<528xi32, #tpu.memory_space<vmem>> -> memref<512xi32, #tpu.memory_space<vmem>>
      %dma_wait3A_77 = tpu.memref_slice %arg2[%mul3A_2] : memref<16384xi32, #tpu.memory_space<hbm>> -> memref<512xi32, #tpu.memory_space<hbm>>
      %dma_wait3A_78 = arith.constant 0 : i32
      %dma_wait3A_79 = tpu.memref_slice %arg6[%dma_wait3A_78] : memref<528xi32, #tpu.memory_space<vmem>> -> memref<512xi32, #tpu.memory_space<vmem>>
      %dma_wait3A_80 = tpu.memref_slice %arg2[%mul3A_2] : memref<16384xi32, #tpu.memory_space<hbm>> -> memref<512xi32, #tpu.memory_space<hbm>>
      tpu.wait_dma2 semaphore(%run_scoped3A : memref<!tpu.dma_semaphore, #tpu.memory_space<semaphore_mem>>) src(%dma_wait3A_80 : memref<512xi32, #tpu.memory_space<hbm>>) dst(%dma_wait3A_79 : memref<512xi32, #tpu.memory_space<vmem>>)
      tpu.yield
    }) : () -> ()
    "tpu.region"() ({
      %run_scoped3A = tpu.sem_alloc : memref<!tpu.dma_semaphore, #tpu.memory_space<semaphore_mem>>
      tpu.enqueue_dma source(%arg4 : memref<64x64xf32, #tpu.memory_space<hbm>>) target(%arg9 : memref<64x64xf32, #tpu.memory_space<vmem>>) target_semaphore(%run_scoped3A : memref<!tpu.dma_semaphore, #tpu.memory_space<semaphore_mem>>)
      tpu.wait_dma2 semaphore(%run_scoped3A : memref<!tpu.dma_semaphore, #tpu.memory_space<semaphore_mem>>) src(%arg4 : memref<64x64xf32, #tpu.memory_space<hbm>>) dst(%arg9 : memref<64x64xf32, #tpu.memory_space<vmem>>)
      tpu.yield
    }) : () -> ()
    %iota3A = tpu.iota {dimensions = array<i32: 0>} : vector<16xi32>
    %broadcast_in_dim3A = arith.constant 0 : i32
    %broadcast_in_dim3A_3 = vector.broadcast %broadcast_in_dim3A : i32 to vector<16xi32>
    %eq3A = arith.constant 0 : i32
    %eq3A_4 = vector.broadcast %eq3A : i32 to vector<16xi32>
    %eq3A_5 = arith.cmpi eq, %iota3A, %eq3A_4 : vector<16xi32>
    %get3A = arith.constant 0 : index
    %get3A_6 = tpu.vector_load %arg6[%get3A] {strides = array<i32>} : memref<528xi32, #tpu.memory_space<vmem>>, vector<16xi32>,
    %slice3A = vector.extract_strided_slice %get3A_6 {offsets = [0], sizes = [1], strides = [1]} : vector<16xi32> to vector<1xi32>
    %squeeze3A = vector.extract %slice3A[0] : i32 from vector<1xi32>
    %shift_right_logical3A = arith.constant 7 : i32
    %shift_right_logical3A_7 = arith.shrui %squeeze3A, %shift_right_logical3A : i32
    %min3A = arith.constant 7810 : i32
    %min3A_8 = arith.minsi %shift_right_logical3A_7, %min3A : i32
    %add3A_9 = arith.constant 0 : i32
    %add3A_10 = vector.broadcast %add3A_9 : i32 to vector<16xi32>
    %add3A_11 = arith.addi %broadcast_in_dim3A_3, %add3A_10 : vector<16xi32>
    %add3A_12 = vector.broadcast %min3A_8 : i32 to vector<16xi32>
    %add3A_13 = arith.addi %broadcast_in_dim3A_3, %add3A_12 : vector<16xi32>
    tpu.vector_store_idx %arg7[%add3A_11], %add3A_13 masked %eq3A_5 : memref<528xi32, #tpu.memory_space<vmem>>[vector<16xi32>], vector<16xi32>, vector<16xi1>
    %add3A_14 = arith.constant 0 : i32
    %add3A_15 = vector.broadcast %add3A_14 : i32 to vector<16xi32>
    %add3A_16 = arith.addi %broadcast_in_dim3A_3, %add3A_15 : vector<16xi32>
    %add3A_17 = arith.constant 0 : i32
    %add3A_18 = vector.broadcast %add3A_17 : i32 to vector<16xi32>
    %add3A_19 = arith.addi %broadcast_in_dim3A_3, %add3A_18 : vector<16xi32>
    tpu.vector_store_idx %arg8[%add3A_16], %add3A_19 masked %eq3A_5 : memref<528xi32, #tpu.memory_space<vmem>>[vector<16xi32>], vector<16xi32>, vector<16xi1>
    %mul3A_20 = arith.constant 128 : i32
    %mul3A_21 = arith.muli %min3A_8, %mul3A_20 : i32
    %multiple_of3A = tpu.assume_multiple %mul3A_21, 128 : i32
    %dma_start3A = arith.constant 0 : i32
    %dma_start3A_22 = tpu.memref_slice %arg3[%dma_start3A, %multiple_of3A] : memref<64x1000000xf32, #tpu.memory_space<hbm>> -> memref<64x256xf32, #tpu.memory_space<hbm>>
    %dma_start3A_23 = arith.constant 0 : i32
    %dma_start3A_24 = tpu.memref_slice %arg3[%dma_start3A_23, %multiple_of3A] : memref<64x1000000xf32, #tpu.memory_space<hbm>> -> memref<64x256xf32, #tpu.memory_space<hbm>>
    tpu.enqueue_dma source(%dma_start3A_24 : memref<64x256xf32, #tpu.memory_space<hbm>>) target(%arg10 : memref<64x256xf32, #tpu.memory_space<vmem>>) target_semaphore(%arg14 : memref<!tpu.dma_semaphore, #tpu.memory_space<semaphore_mem>>)
    %scan3A = arith.constant 1 : i32
    %scan3A_25 = arith.constant 1 : i32
    %scan3A_26 = arith.constant 511 : i32
    %scan3A_27 = arith.addi %scan3A_25, %scan3A_26 : i32
    %scan3A_28 = arith.constant 1 : i32
    %scan3A_29:2 = scf.for %scan3A_70 = %scan3A_25 to %scan3A_27 step %scan3A_28 iter_args(%scan3A_71 = %scan3A, %scan3A_72 = %min3A_8) -> (i32, i32)  : i32 {
      %get3A_73 = arith.index_cast %scan3A_70 : i32 to index
      %get3A_74 = tpu.vector_load %arg6[%get3A_73] {strides = array<i32>} : memref<528xi32, #tpu.memory_space<vmem>>, vector<16xi32>,
      %slice3A_75 = vector.extract_strided_slice %get3A_74 {offsets = [0], sizes = [1], strides = [1]} : vector<16xi32> to vector<1xi32>
      %squeeze3A_76 = vector.extract %slice3A_75[0] : i32 from vector<1xi32>
      %shift_right_logical3A_77 = arith.constant 7 : i32
      %shift_right_logical3A_78 = arith.shrui %squeeze3A_76, %shift_right_logical3A_77 : i32
      %min3A_79 = arith.constant 7810 : i32
      %min3A_80 = arith.minsi %shift_right_logical3A_78, %min3A_79 : i32
      %add3A_81 = arith.constant 1 : i32
      %add3A_82 = arith.addi %scan3A_72, %add3A_81 : i32
      %gt3A_83 = arith.cmpi sgt, %min3A_80, %add3A_82 : i32
      %convert_element_type3A_84 = arith.extui %gt3A_83 : i1 to i32
      %cond3A_85 = arith.constant 0 : i32
      %cond3A_86 = arith.cmpi ne, %convert_element_type3A_84, %cond3A_85 : i32
      scf.if %cond3A_86 {
        %add3A_91 = vector.broadcast %scan3A_71 : i32 to vector<16xi32>
        %add3A_92 = arith.addi %broadcast_in_dim3A_3, %add3A_91 : vector<16xi32>
        %add3A_93 = vector.broadcast %min3A_80 : i32 to vector<16xi32>
        %add3A_94 = arith.addi %broadcast_in_dim3A_3, %add3A_93 : vector<16xi32>
        tpu.vector_store_idx %arg7[%add3A_92], %add3A_94 masked %eq3A_5 : memref<528xi32, #tpu.memory_space<vmem>>[vector<16xi32>], vector<16xi32>, vector<16xi1>
        %add3A_95 = vector.broadcast %scan3A_71 : i32 to vector<16xi32>
        %add3A_96 = arith.addi %broadcast_in_dim3A_3, %add3A_95 : vector<16xi32>
        %add3A_97 = vector.broadcast %scan3A_70 : i32 to vector<16xi32>
        %add3A_98 = arith.addi %broadcast_in_dim3A_3, %add3A_97 : vector<16xi32>
        tpu.vector_store_idx %arg8[%add3A_96], %add3A_98 masked %eq3A_5 : memref<528xi32, #tpu.memory_space<vmem>>[vector<16xi32>], vector<16xi32>, vector<16xi1>
      } else {
      }
      %add3A_87 = arith.constant 1 : i32
      %add3A_88 = arith.addi %scan3A_71, %add3A_87 : i32
      %select_n3A_89 = arith.select %gt3A_83, %add3A_88, %scan3A_71 : i32
      %select_n3A_90 = arith.select %gt3A_83, %min3A_80, %scan3A_72 : i32
      scf.yield %select_n3A_89, %select_n3A_90 : i32, i32
    }
    %scan3A_30 = arith.constant 511 : i32
    %add3A_31 = vector.broadcast %scan3A_29#0 : i32 to vector<16xi32>
    %add3A_32 = arith.addi %broadcast_in_dim3A_3, %add3A_31 : vector<16xi32>
    %add3A_33 = arith.constant 0 : i32
    %add3A_34 = vector.broadcast %add3A_33 : i32 to vector<16xi32>
    %add3A_35 = arith.addi %broadcast_in_dim3A_3, %add3A_34 : vector<16xi32>
    tpu.vector_store_idx %arg7[%add3A_32], %add3A_35 masked %eq3A_5 : memref<528xi32, #tpu.memory_space<vmem>>[vector<16xi32>], vector<16xi32>, vector<16xi1>
    %add3A_36 = vector.broadcast %scan3A_29#0 : i32 to vector<16xi32>
    %add3A_37 = arith.addi %broadcast_in_dim3A_3, %add3A_36 : vector<16xi32>
    %add3A_38 = arith.constant 512 : i32
    %add3A_39 = vector.broadcast %add3A_38 : i32 to vector<16xi32>
    %add3A_40 = arith.addi %broadcast_in_dim3A_3, %add3A_39 : vector<16xi32>
    tpu.vector_store_idx %arg8[%add3A_37], %add3A_40 masked %eq3A_5 : memref<528xi32, #tpu.memory_space<vmem>>[vector<16xi32>], vector<16xi32>, vector<16xi1>
    %gt3A = arith.constant 1 : i32
    %gt3A_41 = arith.cmpi sgt, %scan3A_29#0, %gt3A : i32
    %convert_element_type3A = arith.extui %gt3A_41 : i1 to i32
    %cond3A = arith.constant 0 : i32
    %cond3A_42 = arith.cmpi ne, %convert_element_type3A, %cond3A : i32
    scf.if %cond3A_42 {
      %get3A_70 = arith.constant 1 : index
      %get3A_71 = tpu.vector_load %arg7[%get3A_70] {strides = array<i32>} : memref<528xi32, #tpu.memory_space<vmem>>, vector<16xi32>,
      %slice3A_72 = vector.extract_strided_slice %get3A_71 {offsets = [0], sizes = [1], strides = [1]} : vector<16xi32> to vector<1xi32>
      %squeeze3A_73 = vector.extract %slice3A_72[0] : i32 from vector<1xi32>
      %mul3A_74 = arith.constant 128 : i32
      %mul3A_75 = arith.muli %squeeze3A_73, %mul3A_74 : i32
      %multiple_of3A_76 = tpu.assume_multiple %mul3A_75, 128 : i32
      %dma_start3A_77 = arith.constant 0 : i32
      %dma_start3A_78 = tpu.memref_slice %arg3[%dma_start3A_77, %multiple_of3A_76] : memref<64x1000000xf32, #tpu.memory_space<hbm>> -> memref<64x256xf32, #tpu.memory_space<hbm>>
      %dma_start3A_79 = arith.constant 0 : i32
      %dma_start3A_80 = tpu.memref_slice %arg3[%dma_start3A_79, %multiple_of3A_76] : memref<64x1000000xf32, #tpu.memory_space<hbm>> -> memref<64x256xf32, #tpu.memory_space<hbm>>
      tpu.enqueue_dma source(%dma_start3A_80 : memref<64x256xf32, #tpu.memory_space<hbm>>) target(%arg11 : memref<64x256xf32, #tpu.memory_space<vmem>>) target_semaphore(%arg15 : memref<!tpu.dma_semaphore, #tpu.memory_space<semaphore_mem>>)
    } else {
    }
    %add3A_43 = arith.constant 2 : i32
    %add3A_44 = arith.addi %scan3A_29#0, %add3A_43 : i32
    %jit3A = arith.constant 3 : i32
    %div3A = arith.divsi %add3A_44, %jit3A : i32
    %sign3A = arith.constant 0 : i32
    %sign3A_45 = arith.cmpi sgt, %add3A_44, %sign3A : i32
    %sign3A_46 = arith.extui %sign3A_45 : i1 to i32
    %sign3A_47 = arith.constant 0 : i32
    %sign3A_48 = arith.cmpi slt, %add3A_44, %sign3A_47 : i32
    %sign3A_49 = arith.extui %sign3A_48 : i1 to i32
    %sign3A_50 = arith.subi %sign3A_46, %sign3A_49 : i32
    %sign3A_51 = arith.constant 0 : i32
    %sign3A_52 = arith.cmpi sgt, %jit3A, %sign3A_51 : i32
    %sign3A_53 = arith.extui %sign3A_52 : i1 to i32
    %sign3A_54 = arith.constant 0 : i32
    %sign3A_55 = arith.cmpi slt, %jit3A, %sign3A_54 : i32
    %sign3A_56 = arith.extui %sign3A_55 : i1 to i32
    %sign3A_57 = arith.subi %sign3A_53, %sign3A_56 : i32
    %ne3A = arith.cmpi ne, %sign3A_50, %sign3A_57 : i32
    %rem3A = arith.remsi %add3A_44, %jit3A : i32
    %ne3A_58 = arith.constant 0 : i32
    %ne3A_59 = arith.cmpi ne, %rem3A, %ne3A_58 : i32
    %and3A = arith.andi %ne3A, %ne3A_59 : i1
    %sub3A = arith.constant 1 : i32
    %sub3A_60 = arith.subi %div3A, %sub3A : i32
    %select_n3A = arith.select %and3A, %sub3A_60, %div3A : i32
    %while3A = arith.constant 0 : i32
    %while3A_61 = arith.constant 0 : i32
    %while3A_62 = arith.subi %select_n3A, %while3A_61 : i32
    %while3A_63 = arith.addi %while3A_61, %while3A_62 : i32
    %while3A_64 = arith.constant 1 : i32
    %while3A_65 = arith.divsi %while3A_62, %while3A_64 : i32
    %while3A_66 = arith.muli %while3A_65, %while3A_64 : i32
    %while3A_67 = arith.addi %while3A_61, %while3A_66 : i32
    %while3A_68 = arith.constant 1 : i32
    scf.for %while3A_70 = %while3A_61 to %while3A_67 step %while3A_68  : i32 {
      %mul3A_71 = arith.constant 3 : i32
      %mul3A_72 = arith.muli %while3A_70, %mul3A_71 : i32
      %add3A_73 = arith.constant 0 : i32
      %add3A_74 = arith.addi %mul3A_72, %add3A_73 : i32
      %lt3A = arith.cmpi slt, %add3A_74, %scan3A_29#0 : i32
      %convert_element_type3A_75 = arith.extui %lt3A : i1 to i32
      %cond3A_76 = arith.constant 0 : i32
      %cond3A_77 = arith.cmpi ne, %convert_element_type3A_75, %cond3A_76 : i32
      scf.if %cond3A_77 {
        %dma_wait3A = arith.constant 0 : i32
        %dma_wait3A_94 = arith.constant 0 : i32
        %dma_wait3A_95 = tpu.memref_slice %arg3[%dma_wait3A, %dma_wait3A_94] : memref<64x1000000xf32, #tpu.memory_space<hbm>> -> memref<64x256xf32, #tpu.memory_space<hbm>>
        %dma_wait3A_96 = arith.constant 0 : i32
        %dma_wait3A_97 = arith.constant 0 : i32
        %dma_wait3A_98 = tpu.memref_slice %arg3[%dma_wait3A_96, %dma_wait3A_97] : memref<64x1000000xf32, #tpu.memory_space<hbm>> -> memref<64x256xf32, #tpu.memory_space<hbm>>
        tpu.wait_dma2 semaphore(%arg14 : memref<!tpu.dma_semaphore, #tpu.memory_space<semaphore_mem>>) src(%dma_wait3A_98 : memref<64x256xf32, #tpu.memory_space<hbm>>) dst(%arg10 : memref<64x256xf32, #tpu.memory_space<vmem>>)
        %add3A_99 = arith.constant 2 : i32
        %add3A_100 = arith.addi %add3A_74, %add3A_99 : i32
        %lt3A_101 = arith.cmpi slt, %add3A_100, %scan3A_29#0 : i32
        %convert_element_type3A_102 = arith.extui %lt3A_101 : i1 to i32
        %cond3A_103 = arith.constant 0 : i32
        %cond3A_104 = arith.cmpi ne, %convert_element_type3A_102, %cond3A_103 : i32
        scf.if %cond3A_104 {
          %add3A_133 = arith.constant 2 : i32
          %add3A_134 = arith.addi %add3A_74, %add3A_133 : i32
          %get3A_135 = arith.index_cast %add3A_134 : i32 to index
          %get3A_136 = tpu.vector_load %arg7[%get3A_135] {strides = array<i32>} : memref<528xi32, #tpu.memory_space<vmem>>, vector<16xi32>,
          %slice3A_137 = vector.extract_strided_slice %get3A_136 {offsets = [0], sizes = [1], strides = [1]} : vector<16xi32> to vector<1xi32>
          %squeeze3A_138 = vector.extract %slice3A_137[0] : i32 from vector<1xi32>
          %mul3A_139 = arith.constant 128 : i32
          %mul3A_140 = arith.muli %squeeze3A_138, %mul3A_139 : i32
          %multiple_of3A_141 = tpu.assume_multiple %mul3A_140, 128 : i32
          %dma_start3A_142 = arith.constant 0 : i32
          %dma_start3A_143 = tpu.memref_slice %arg3[%dma_start3A_142, %multiple_of3A_141] : memref<64x1000000xf32, #tpu.memory_space<hbm>> -> memref<64x256xf32, #tpu.memory_space<hbm>>
          %dma_start3A_144 = arith.constant 0 : i32
          %dma_start3A_145 = tpu.memref_slice %arg3[%dma_start3A_144, %multiple_of3A_141] : memref<64x1000000xf32, #tpu.memory_space<hbm>> -> memref<64x256xf32, #tpu.memory_space<hbm>>
          tpu.enqueue_dma source(%dma_start3A_145 : memref<64x256xf32, #tpu.memory_space<hbm>>) target(%arg12 : memref<64x256xf32, #tpu.memory_space<vmem>>) target_semaphore(%arg16 : memref<!tpu.dma_semaphore, #tpu.memory_space<semaphore_mem>>)
        } else {
        }
        %get3A_105 = arith.index_cast %add3A_74 : i32 to index
        %get3A_106 = tpu.vector_load %arg7[%get3A_105] {strides = array<i32>} : memref<528xi32, #tpu.memory_space<vmem>>, vector<16xi32>,
        %slice3A_107 = vector.extract_strided_slice %get3A_106 {offsets = [0], sizes = [1], strides = [1]} : vector<16xi32> to vector<1xi32>
        %squeeze3A_108 = vector.extract %slice3A_107[0] : i32 from vector<1xi32>
        %mul3A_109 = arith.constant 128 : i32
        %mul3A_110 = arith.muli %squeeze3A_108, %mul3A_109 : i32
        %multiple_of3A_111 = tpu.assume_multiple %mul3A_110, 128 : i32
        %get3A_112 = arith.index_cast %add3A_74 : i32 to index
        %get3A_113 = tpu.vector_load %arg8[%get3A_112] {strides = array<i32>} : memref<528xi32, #tpu.memory_space<vmem>>, vector<16xi32>,
        %slice3A_114 = vector.extract_strided_slice %get3A_113 {offsets = [0], sizes = [1], strides = [1]} : vector<16xi32> to vector<1xi32>
        %squeeze3A_115 = vector.extract %slice3A_114[0] : i32 from vector<1xi32>
        %add3A_116 = arith.constant 1 : i32
        %add3A_117 = arith.addi %add3A_74, %add3A_116 : i32
        %get3A_118 = arith.index_cast %add3A_117 : i32 to index
        %get3A_119 = tpu.vector_load %arg8[%get3A_118] {strides = array<i32>} : memref<528xi32, #tpu.memory_space<vmem>>, vector<16xi32>,
        %slice3A_120 = vector.extract_strided_slice %get3A_119 {offsets = [0], sizes = [1], strides = [1]} : vector<16xi32> to vector<1xi32>
        %squeeze3A_121 = vector.extract %slice3A_120[0] : i32 from vector<1xi32>
        %mul3A_122 = arith.constant 128 : i32
        %mul3A_123 = arith.muli %squeeze3A_108, %mul3A_122 : i32
        %while3A_124 = arith.constant 0 : i32
        %while3A_125 = arith.subi %squeeze3A_121, %squeeze3A_115 : i32
        %while3A_126 = arith.addi %squeeze3A_115, %while3A_125 : i32
        %while3A_127 = arith.constant 1 : i32
        %while3A_128 = arith.divsi %while3A_125, %while3A_127 : i32
        %while3A_129 = arith.muli %while3A_128, %while3A_127 : i32
        %while3A_130 = arith.addi %squeeze3A_115, %while3A_129 : i32
        %while3A_131 = arith.constant 1 : i32
        scf.for %while3A_133 = %squeeze3A_115 to %while3A_130 step %while3A_131  : i32 {
          %get3A_134 = arith.index_cast %while3A_133 : i32 to index
          %get3A_135 = tpu.vector_load %arg6[%get3A_134] {strides = array<i32>} : memref<528xi32, #tpu.memory_space<vmem>>, vector<16xi32>,
          %slice3A_136 = vector.extract_strided_slice %get3A_135 {offsets = [0], sizes = [1], strides = [1]} : vector<16xi32> to vector<1xi32>
          %squeeze3A_137 = vector.extract %slice3A_136[0] : i32 from vector<1xi32>
          %sub3A_138 = arith.subi %squeeze3A_137, %mul3A_123 : i32
          %jit3A_139 = arith.constant 0 : i32
          %jit3A_140 = arith.constant 255 : i32
          %max3A = arith.maxsi %jit3A_139, %sub3A_138 : i32
          %min3A_141 = arith.minsi %jit3A_140, %max3A : i32
          %add3A_142 = vector.broadcast %min3A_141 : i32 to vector<16xi32>
          %add3A_143 = arith.addi %broadcast_in_dim3A_3, %add3A_142 : vector<16xi32>
          %sub3A_144 = arith.constant 999936 : i32
          %sub3A_145 = arith.subi %squeeze3A_137, %sub3A_144 : i32
          %jit3A_146 = arith.constant 0 : i32
          %jit3A_147 = arith.constant 63 : i32
          %max3A_148 = arith.maxsi %jit3A_146, %sub3A_145 : i32
          %min3A_149 = arith.minsi %jit3A_147, %max3A_148 : i32
          %add3A_150 = vector.broadcast %min3A_149 : i32 to vector<16xi32>
          %add3A_151 = arith.addi %broadcast_in_dim3A_3, %add3A_150 : vector<16xi32>
          %ge3A = arith.constant 999936 : i32
          %ge3A_152 = arith.cmpi sge, %squeeze3A_137, %ge3A : i32
          %broadcast_in_dim3A_153 = vector.broadcast %ge3A_152 : i1 to vector<16xi1>
          %add3A_154 = arith.constant 0 : i32
          %add3A_155 = vector.broadcast %add3A_154 : i32 to vector<16xi32>
          %add3A_156 = arith.addi %iota3A, %add3A_155 : vector<16xi32>
          %gather3A = tpu.vector_load_idx %arg10[%add3A_156, %add3A_143] : memref<64x256xf32, #tpu.memory_space<vmem>>[vector<16xi32>, vector<16xi32>], vector<16xf32>,
          %add3A_157 = arith.constant 0 : i32
          %add3A_158 = vector.broadcast %add3A_157 : i32 to vector<16xi32>
          %add3A_159 = arith.addi %iota3A, %add3A_158 : vector<16xi32>
          %gather3A_160 = tpu.vector_load_idx %arg9[%add3A_159, %add3A_151] : memref<64x64xf32, #tpu.memory_space<vmem>>[vector<16xi32>, vector<16xi32>], vector<16xf32>,
          %select_n3A_161 = arith.select %broadcast_in_dim3A_153, %gather3A_160, %gather3A : vector<16xi1>, vector<16xf32>
          %swap3A = arith.index_cast %while3A_133 : i32 to index
          %swap3A_162 = arith.constant 0 : index
          %swap3A_163 = tpu.vector_load %arg13[%swap3A, %swap3A_162] {strides = array<i32>} : memref<512x64xf32, #tpu.memory_space<vmem>>, vector<16xf32>,
          tpu.vector_store %arg13[%swap3A, %swap3A_162], %select_n3A_161 {strides = array<i32>} : memref<512x64xf32, #tpu.memory_space<vmem>>, vector<16xf32>,
          %add3A_164 = arith.constant 16 : i32
          %add3A_165 = vector.broadcast %add3A_164 : i32 to vector<16xi32>
          %add3A_166 = arith.addi %iota3A, %add3A_165 : vector<16xi32>
          %gather3A_167 = tpu.vector_load_idx %arg10[%add3A_166, %add3A_143] : memref<64x256xf32, #tpu.memory_space<vmem>>[vector<16xi32>, vector<16xi32>], vector<16xf32>,
          %add3A_168 = arith.constant 16 : i32
          %add3A_169 = vector.broadcast %add3A_168 : i32 to vector<16xi32>
          %add3A_170 = arith.addi %iota3A, %add3A_169 : vector<16xi32>
          %gather3A_171 = tpu.vector_load_idx %arg9[%add3A_170, %add3A_151] : memref<64x64xf32, #tpu.memory_space<vmem>>[vector<16xi32>, vector<16xi32>], vector<16xf32>,
          %select_n3A_172 = arith.select %broadcast_in_dim3A_153, %gather3A_171, %gather3A_167 : vector<16xi1>, vector<16xf32>
          %swap3A_173 = arith.index_cast %while3A_133 : i32 to index
          %swap3A_174 = arith.constant 16 : index
          %swap3A_175 = tpu.vector_load %arg13[%swap3A_173, %swap3A_174] {strides = array<i32>} : memref<512x64xf32, #tpu.memory_space<vmem>>, vector<16xf32>,
          tpu.vector_store %arg13[%swap3A_173, %swap3A_174], %select_n3A_172 {strides = array<i32>} : memref<512x64xf32, #tpu.memory_space<vmem>>, vector<16xf32>,
          %add3A_176 = arith.constant 32 : i32
          %add3A_177 = vector.broadcast %add3A_176 : i32 to vector<16xi32>
          %add3A_178 = arith.addi %iota3A, %add3A_177 : vector<16xi32>
          %gather3A_179 = tpu.vector_load_idx %arg10[%add3A_178, %add3A_143] : memref<64x256xf32, #tpu.memory_space<vmem>>[vector<16xi32>, vector<16xi32>], vector<16xf32>,
          %add3A_180 = arith.constant 32 : i32
          %add3A_181 = vector.broadcast %add3A_180 : i32 to vector<16xi32>
          %add3A_182 = arith.addi %iota3A, %add3A_181 : vector<16xi32>
          %gather3A_183 = tpu.vector_load_idx %arg9[%add3A_182, %add3A_151] : memref<64x64xf32, #tpu.memory_space<vmem>>[vector<16xi32>, vector<16xi32>], vector<16xf32>,
          %select_n3A_184 = arith.select %broadcast_in_dim3A_153, %gather3A_183, %gather3A_179 : vector<16xi1>, vector<16xf32>
          %swap3A_185 = arith.index_cast %while3A_133 : i32 to index
          %swap3A_186 = arith.constant 32 : index
          %swap3A_187 = tpu.vector_load %arg13[%swap3A_185, %swap3A_186] {strides = array<i32>} : memref<512x64xf32, #tpu.memory_space<vmem>>, vector<16xf32>,
          tpu.vector_store %arg13[%swap3A_185, %swap3A_186], %select_n3A_184 {strides = array<i32>} : memref<512x64xf32, #tpu.memory_space<vmem>>, vector<16xf32>,
          %add3A_188 = arith.constant 48 : i32
          %add3A_189 = vector.broadcast %add3A_188 : i32 to vector<16xi32>
          %add3A_190 = arith.addi %iota3A, %add3A_189 : vector<16xi32>
          %gather3A_191 = tpu.vector_load_idx %arg10[%add3A_190, %add3A_143] : memref<64x256xf32, #tpu.memory_space<vmem>>[vector<16xi32>, vector<16xi32>], vector<16xf32>,
          %add3A_192 = arith.constant 48 : i32
          %add3A_193 = vector.broadcast %add3A_192 : i32 to vector<16xi32>
          %add3A_194 = arith.addi %iota3A, %add3A_193 : vector<16xi32>
          %gather3A_195 = tpu.vector_load_idx %arg9[%add3A_194, %add3A_151] : memref<64x64xf32, #tpu.memory_space<vmem>>[vector<16xi32>, vector<16xi32>], vector<16xf32>,
          %select_n3A_196 = arith.select %broadcast_in_dim3A_153, %gather3A_195, %gather3A_191 : vector<16xi1>, vector<16xf32>
          %swap3A_197 = arith.index_cast %while3A_133 : i32 to index
          %swap3A_198 = arith.constant 48 : index
          %swap3A_199 = tpu.vector_load %arg13[%swap3A_197, %swap3A_198] {strides = array<i32>} : memref<512x64xf32, #tpu.memory_space<vmem>>, vector<16xf32>,
          tpu.vector_store %arg13[%swap3A_197, %swap3A_198], %select_n3A_196 {strides = array<i32>} : memref<512x64xf32, #tpu.memory_space<vmem>>, vector<16xf32>,
        }
        %while3A_132 = arith.constant 1 : i32
        scf.for %while3A_133 = %while3A_130 to %while3A_126 step %while3A_132  : i32 {
          %get3A_134 = arith.index_cast %while3A_133 : i32 to index
          %get3A_135 = tpu.vector_load %arg6[%get3A_134] {strides = array<i32>} : memref<528xi32, #tpu.memory_space<vmem>>, vector<16xi32>,
          %slice3A_136 = vector.extract_strided_slice %get3A_135 {offsets = [0], sizes = [1], strides = [1]} : vector<16xi32> to vector<1xi32>
          %squeeze3A_137 = vector.extract %slice3A_136[0] : i32 from vector<1xi32>
          %sub3A_138 = arith.subi %squeeze3A_137, %mul3A_123 : i32
          %jit3A_139 = arith.constant 0 : i32
          %jit3A_140 = arith.constant 255 : i32
          %max3A = arith.maxsi %jit3A_139, %sub3A_138 : i32
          %min3A_141 = arith.minsi %jit3A_140, %max3A : i32
          %add3A_142 = vector.broadcast %min3A_141 : i32 to vector<16xi32>
          %add3A_143 = arith.addi %broadcast_in_dim3A_3, %add3A_142 : vector<16xi32>
          %sub3A_144 = arith.constant 999936 : i32
          %sub3A_145 = arith.subi %squeeze3A_137, %sub3A_144 : i32
          %jit3A_146 = arith.constant 0 : i32
          %jit3A_147 = arith.constant 63 : i32
          %max3A_148 = arith.maxsi %jit3A_146, %sub3A_145 : i32
          %min3A_149 = arith.minsi %jit3A_147, %max3A_148 : i32
          %add3A_150 = vector.broadcast %min3A_149 : i32 to vector<16xi32>
          %add3A_151 = arith.addi %broadcast_in_dim3A_3, %add3A_150 : vector<16xi32>
          %ge3A = arith.constant 999936 : i32
          %ge3A_152 = arith.cmpi sge, %squeeze3A_137, %ge3A : i32
          %broadcast_in_dim3A_153 = vector.broadcast %ge3A_152 : i1 to vector<16xi1>
          %add3A_154 = arith.constant 0 : i32
          %add3A_155 = vector.broadcast %add3A_154 : i32 to vector<16xi32>
          %add3A_156 = arith.addi %iota3A, %add3A_155 : vector<16xi32>
          %gather3A = tpu.vector_load_idx %arg10[%add3A_156, %add3A_143] : memref<64x256xf32, #tpu.memory_space<vmem>>[vector<16xi32>, vector<16xi32>], vector<16xf32>,
          %add3A_157 = arith.constant 0 : i32
          %add3A_158 = vector.broadcast %add3A_157 : i32 to vector<16xi32>
          %add3A_159 = arith.addi %iota3A, %add3A_158 : vector<16xi32>
          %gather3A_160 = tpu.vector_load_idx %arg9[%add3A_159, %add3A_151] : memref<64x64xf32, #tpu.memory_space<vmem>>[vector<16xi32>, vector<16xi32>], vector<16xf32>,
          %select_n3A_161 = arith.select %broadcast_in_dim3A_153, %gather3A_160, %gather3A : vector<16xi1>, vector<16xf32>
          %swap3A = arith.index_cast %while3A_133 : i32 to index
          %swap3A_162 = arith.constant 0 : index
          %swap3A_163 = tpu.vector_load %arg13[%swap3A, %swap3A_162] {strides = array<i32>} : memref<512x64xf32, #tpu.memory_space<vmem>>, vector<16xf32>,
          tpu.vector_store %arg13[%swap3A, %swap3A_162], %select_n3A_161 {strides = array<i32>} : memref<512x64xf32, #tpu.memory_space<vmem>>, vector<16xf32>,
          %add3A_164 = arith.constant 16 : i32
          %add3A_165 = vector.broadcast %add3A_164 : i32 to vector<16xi32>
          %add3A_166 = arith.addi %iota3A, %add3A_165 : vector<16xi32>
          %gather3A_167 = tpu.vector_load_idx %arg10[%add3A_166, %add3A_143] : memref<64x256xf32, #tpu.memory_space<vmem>>[vector<16xi32>, vector<16xi32>], vector<16xf32>,
          %add3A_168 = arith.constant 16 : i32
          %add3A_169 = vector.broadcast %add3A_168 : i32 to vector<16xi32>
          %add3A_170 = arith.addi %iota3A, %add3A_169 : vector<16xi32>
          %gather3A_171 = tpu.vector_load_idx %arg9[%add3A_170, %add3A_151] : memref<64x64xf32, #tpu.memory_space<vmem>>[vector<16xi32>, vector<16xi32>], vector<16xf32>,
          %select_n3A_172 = arith.select %broadcast_in_dim3A_153, %gather3A_171, %gather3A_167 : vector<16xi1>, vector<16xf32>
          %swap3A_173 = arith.index_cast %while3A_133 : i32 to index
          %swap3A_174 = arith.constant 16 : index
          %swap3A_175 = tpu.vector_load %arg13[%swap3A_173, %swap3A_174] {strides = array<i32>} : memref<512x64xf32, #tpu.memory_space<vmem>>, vector<16xf32>,
          tpu.vector_store %arg13[%swap3A_173, %swap3A_174], %select_n3A_172 {strides = array<i32>} : memref<512x64xf32, #tpu.memory_space<vmem>>, vector<16xf32>,
          %add3A_176 = arith.constant 32 : i32
          %add3A_177 = vector.broadcast %add3A_176 : i32 to vector<16xi32>
          %add3A_178 = arith.addi %iota3A, %add3A_177 : vector<16xi32>
          %gather3A_179 = tpu.vector_load_idx %arg10[%add3A_178, %add3A_143] : memref<64x256xf32, #tpu.memory_space<vmem>>[vector<16xi32>, vector<16xi32>], vector<16xf32>,
          %add3A_180 = arith.constant 32 : i32
          %add3A_181 = vector.broadcast %add3A_180 : i32 to vector<16xi32>
          %add3A_182 = arith.addi %iota3A, %add3A_181 : vector<16xi32>
          %gather3A_183 = tpu.vector_load_idx %arg9[%add3A_182, %add3A_151] : memref<64x64xf32, #tpu.memory_space<vmem>>[vector<16xi32>, vector<16xi32>], vector<16xf32>,
          %select_n3A_184 = arith.select %broadcast_in_dim3A_153, %gather3A_183, %gather3A_179 : vector<16xi1>, vector<16xf32>
          %swap3A_185 = arith.index_cast %while3A_133 : i32 to index
          %swap3A_186 = arith.constant 32 : index
          %swap3A_187 = tpu.vector_load %arg13[%swap3A_185, %swap3A_186] {strides = array<i32>} : memref<512x64xf32, #tpu.memory_space<vmem>>, vector<16xf32>,
          tpu.vector_store %arg13[%swap3A_185, %swap3A_186], %select_n3A_184 {strides = array<i32>} : memref<512x64xf32, #tpu.memory_space<vmem>>, vector<16xf32>,
          %add3A_188 = arith.constant 48 : i32
          %add3A_189 = vector.broadcast %add3A_188 : i32 to vector<16xi32>
          %add3A_190 = arith.addi %iota3A, %add3A_189 : vector<16xi32>
          %gather3A_191 = tpu.vector_load_idx %arg10[%add3A_190, %add3A_143] : memref<64x256xf32, #tpu.memory_space<vmem>>[vector<16xi32>, vector<16xi32>], vector<16xf32>,
          %add3A_192 = arith.constant 48 : i32
          %add3A_193 = vector.broadcast %add3A_192 : i32 to vector<16xi32>
          %add3A_194 = arith.addi %iota3A, %add3A_193 : vector<16xi32>
          %gather3A_195 = tpu.vector_load_idx %arg9[%add3A_194, %add3A_151] : memref<64x64xf32, #tpu.memory_space<vmem>>[vector<16xi32>, vector<16xi32>], vector<16xf32>,
          %select_n3A_196 = arith.select %broadcast_in_dim3A_153, %gather3A_195, %gather3A_191 : vector<16xi1>, vector<16xf32>
          %swap3A_197 = arith.index_cast %while3A_133 : i32 to index
          %swap3A_198 = arith.constant 48 : index
          %swap3A_199 = tpu.vector_load %arg13[%swap3A_197, %swap3A_198] {strides = array<i32>} : memref<512x64xf32, #tpu.memory_space<vmem>>, vector<16xf32>,
          tpu.vector_store %arg13[%swap3A_197, %swap3A_198], %select_n3A_196 {strides = array<i32>} : memref<512x64xf32, #tpu.memory_space<vmem>>, vector<16xf32>,
        }
      } else {
      }
      %mul3A_78 = arith.constant 3 : i32
      %mul3A_79 = arith.muli %while3A_70, %mul3A_78 : i32
      %add3A_80 = arith.constant 1 : i32
      %add3A_81 = arith.addi %mul3A_79, %add3A_80 : i32
      %lt3A_82 = arith.cmpi slt, %add3A_81, %scan3A_29#0 : i32
      %convert_element_type3A_83 = arith.extui %lt3A_82 : i1 to i32
      %cond3A_84 = arith.constant 0 : i32
      %cond3A_85 = arith.cmpi ne, %convert_element_type3A_83, %cond3A_84 : i32
      scf.if %cond3A_85 {
        %dma_wait3A = arith.constant 0 : i32
        %dma_wait3A_94 = arith.constant 0 : i32
        %dma_wait3A_95 = tpu.memref_slice %arg3[%dma_wait3A, %dma_wait3A_94] : memref<64x1000000xf32, #tpu.memory_space<hbm>> -> memref<64x256xf32, #tpu.memory_space<hbm>>
        %dma_wait3A_96 = arith.constant 0 : i32
        %dma_wait3A_97 = arith.constant 0 : i32
        %dma_wait3A_98 = tpu.memref_slice %arg3[%dma_wait3A_96, %dma_wait3A_97] : memref<64x1000000xf32, #tpu.memory_space<hbm>> -> memref<64x256xf32, #tpu.memory_space<hbm>>
        tpu.wait_dma2 semaphore(%arg15 : memref<!tpu.dma_semaphore, #tpu.memory_space<semaphore_mem>>) src(%dma_wait3A_98 : memref<64x256xf32, #tpu.memory_space<hbm>>) dst(%arg11 : memref<64x256xf32, #tpu.memory_space<vmem>>)
        %add3A_99 = arith.constant 2 : i32
        %add3A_100 = arith.addi %add3A_81, %add3A_99 : i32
        %lt3A_101 = arith.cmpi slt, %add3A_100, %scan3A_29#0 : i32
        %convert_element_type3A_102 = arith.extui %lt3A_101 : i1 to i32
        %cond3A_103 = arith.constant 0 : i32
        %cond3A_104 = arith.cmpi ne, %convert_element_type3A_102, %cond3A_103 : i32
        scf.if %cond3A_104 {
          %add3A_133 = arith.constant 2 : i32
          %add3A_134 = arith.addi %add3A_81, %add3A_133 : i32
          %get3A_135 = arith.index_cast %add3A_134 : i32 to index
          %get3A_136 = tpu.vector_load %arg7[%get3A_135] {strides = array<i32>} : memref<528xi32, #tpu.memory_space<vmem>>, vector<16xi32>,
          %slice3A_137 = vector.extract_strided_slice %get3A_136 {offsets = [0], sizes = [1], strides = [1]} : vector<16xi32> to vector<1xi32>
          %squeeze3A_138 = vector.extract %slice3A_137[0] : i32 from vector<1xi32>
          %mul3A_139 = arith.constant 128 : i32
          %mul3A_140 = arith.muli %squeeze3A_138, %mul3A_139 : i32
          %multiple_of3A_141 = tpu.assume_multiple %mul3A_140, 128 : i32
          %dma_start3A_142 = arith.constant 0 : i32
          %dma_start3A_143 = tpu.memref_slice %arg3[%dma_start3A_142, %multiple_of3A_141] : memref<64x1000000xf32, #tpu.memory_space<hbm>> -> memref<64x256xf32, #tpu.memory_space<hbm>>
          %dma_start3A_144 = arith.constant 0 : i32
          %dma_start3A_145 = tpu.memref_slice %arg3[%dma_start3A_144, %multiple_of3A_141] : memref<64x1000000xf32, #tpu.memory_space<hbm>> -> memref<64x256xf32, #tpu.memory_space<hbm>>
          tpu.enqueue_dma source(%dma_start3A_145 : memref<64x256xf32, #tpu.memory_space<hbm>>) target(%arg10 : memref<64x256xf32, #tpu.memory_space<vmem>>) target_semaphore(%arg14 : memref<!tpu.dma_semaphore, #tpu.memory_space<semaphore_mem>>)
        } else {
        }
        %get3A_105 = arith.index_cast %add3A_81 : i32 to index
        %get3A_106 = tpu.vector_load %arg7[%get3A_105] {strides = array<i32>} : memref<528xi32, #tpu.memory_space<vmem>>, vector<16xi32>,
        %slice3A_107 = vector.extract_strided_slice %get3A_106 {offsets = [0], sizes = [1], strides = [1]} : vector<16xi32> to vector<1xi32>
        %squeeze3A_108 = vector.extract %slice3A_107[0] : i32 from vector<1xi32>
        %mul3A_109 = arith.constant 128 : i32
        %mul3A_110 = arith.muli %squeeze3A_108, %mul3A_109 : i32
        %multiple_of3A_111 = tpu.assume_multiple %mul3A_110, 128 : i32
        %get3A_112 = arith.index_cast %add3A_81 : i32 to index
        %get3A_113 = tpu.vector_load %arg8[%get3A_112] {strides = array<i32>} : memref<528xi32, #tpu.memory_space<vmem>>, vector<16xi32>,
        %slice3A_114 = vector.extract_strided_slice %get3A_113 {offsets = [0], sizes = [1], strides = [1]} : vector<16xi32> to vector<1xi32>
        %squeeze3A_115 = vector.extract %slice3A_114[0] : i32 from vector<1xi32>
        %add3A_116 = arith.constant 1 : i32
        %add3A_117 = arith.addi %add3A_81, %add3A_116 : i32
        %get3A_118 = arith.index_cast %add3A_117 : i32 to index
        %get3A_119 = tpu.vector_load %arg8[%get3A_118] {strides = array<i32>} : memref<528xi32, #tpu.memory_space<vmem>>, vector<16xi32>,
        %slice3A_120 = vector.extract_strided_slice %get3A_119 {offsets = [0], sizes = [1], strides = [1]} : vector<16xi32> to vector<1xi32>
        %squeeze3A_121 = vector.extract %slice3A_120[0] : i32 from vector<1xi32>
        %mul3A_122 = arith.constant 128 : i32
        %mul3A_123 = arith.muli %squeeze3A_108, %mul3A_122 : i32
        %while3A_124 = arith.constant 0 : i32
        %while3A_125 = arith.subi %squeeze3A_121, %squeeze3A_115 : i32
        %while3A_126 = arith.addi %squeeze3A_115, %while3A_125 : i32
        %while3A_127 = arith.constant 1 : i32
        %while3A_128 = arith.divsi %while3A_125, %while3A_127 : i32
        %while3A_129 = arith.muli %while3A_128, %while3A_127 : i32
        %while3A_130 = arith.addi %squeeze3A_115, %while3A_129 : i32
        %while3A_131 = arith.constant 1 : i32
        scf.for %while3A_133 = %squeeze3A_115 to %while3A_130 step %while3A_131  : i32 {
          %get3A_134 = arith.index_cast %while3A_133 : i32 to index
          %get3A_135 = tpu.vector_load %arg6[%get3A_134] {strides = array<i32>} : memref<528xi32, #tpu.memory_space<vmem>>, vector<16xi32>,
          %slice3A_136 = vector.extract_strided_slice %get3A_135 {offsets = [0], sizes = [1], strides = [1]} : vector<16xi32> to vector<1xi32>
          %squeeze3A_137 = vector.extract %slice3A_136[0] : i32 from vector<1xi32>
          %sub3A_138 = arith.subi %squeeze3A_137, %mul3A_123 : i32
          %jit3A_139 = arith.constant 0 : i32
          %jit3A_140 = arith.constant 255 : i32
          %max3A = arith.maxsi %jit3A_139, %sub3A_138 : i32
          %min3A_141 = arith.minsi %jit3A_140, %max3A : i32
          %add3A_142 = vector.broadcast %min3A_141 : i32 to vector<16xi32>
          %add3A_143 = arith.addi %broadcast_in_dim3A_3, %add3A_142 : vector<16xi32>
          %sub3A_144 = arith.constant 999936 : i32
          %sub3A_145 = arith.subi %squeeze3A_137, %sub3A_144 : i32
          %jit3A_146 = arith.constant 0 : i32
          %jit3A_147 = arith.constant 63 : i32
          %max3A_148 = arith.maxsi %jit3A_146, %sub3A_145 : i32
          %min3A_149 = arith.minsi %jit3A_147, %max3A_148 : i32
          %add3A_150 = vector.broadcast %min3A_149 : i32 to vector<16xi32>
          %add3A_151 = arith.addi %broadcast_in_dim3A_3, %add3A_150 : vector<16xi32>
          %ge3A = arith.constant 999936 : i32
          %ge3A_152 = arith.cmpi sge, %squeeze3A_137, %ge3A : i32
          %broadcast_in_dim3A_153 = vector.broadcast %ge3A_152 : i1 to vector<16xi1>
          %add3A_154 = arith.constant 0 : i32
          %add3A_155 = vector.broadcast %add3A_154 : i32 to vector<16xi32>
          %add3A_156 = arith.addi %iota3A, %add3A_155 : vector<16xi32>
          %gather3A = tpu.vector_load_idx %arg11[%add3A_156, %add3A_143] : memref<64x256xf32, #tpu.memory_space<vmem>>[vector<16xi32>, vector<16xi32>], vector<16xf32>,
          %add3A_157 = arith.constant 0 : i32
          %add3A_158 = vector.broadcast %add3A_157 : i32 to vector<16xi32>
          %add3A_159 = arith.addi %iota3A, %add3A_158 : vector<16xi32>
          %gather3A_160 = tpu.vector_load_idx %arg9[%add3A_159, %add3A_151] : memref<64x64xf32, #tpu.memory_space<vmem>>[vector<16xi32>, vector<16xi32>], vector<16xf32>,
          %select_n3A_161 = arith.select %broadcast_in_dim3A_153, %gather3A_160, %gather3A : vector<16xi1>, vector<16xf32>
          %swap3A = arith.index_cast %while3A_133 : i32 to index
          %swap3A_162 = arith.constant 0 : index
          %swap3A_163 = tpu.vector_load %arg13[%swap3A, %swap3A_162] {strides = array<i32>} : memref<512x64xf32, #tpu.memory_space<vmem>>, vector<16xf32>,
          tpu.vector_store %arg13[%swap3A, %swap3A_162], %select_n3A_161 {strides = array<i32>} : memref<512x64xf32, #tpu.memory_space<vmem>>, vector<16xf32>,
          %add3A_164 = arith.constant 16 : i32
          %add3A_165 = vector.broadcast %add3A_164 : i32 to vector<16xi32>
          %add3A_166 = arith.addi %iota3A, %add3A_165 : vector<16xi32>
          %gather3A_167 = tpu.vector_load_idx %arg11[%add3A_166, %add3A_143] : memref<64x256xf32, #tpu.memory_space<vmem>>[vector<16xi32>, vector<16xi32>], vector<16xf32>,
          %add3A_168 = arith.constant 16 : i32
          %add3A_169 = vector.broadcast %add3A_168 : i32 to vector<16xi32>
          %add3A_170 = arith.addi %iota3A, %add3A_169 : vector<16xi32>
          %gather3A_171 = tpu.vector_load_idx %arg9[%add3A_170, %add3A_151] : memref<64x64xf32, #tpu.memory_space<vmem>>[vector<16xi32>, vector<16xi32>], vector<16xf32>,
          %select_n3A_172 = arith.select %broadcast_in_dim3A_153, %gather3A_171, %gather3A_167 : vector<16xi1>, vector<16xf32>
          %swap3A_173 = arith.index_cast %while3A_133 : i32 to index
          %swap3A_174 = arith.constant 16 : index
          %swap3A_175 = tpu.vector_load %arg13[%swap3A_173, %swap3A_174] {strides = array<i32>} : memref<512x64xf32, #tpu.memory_space<vmem>>, vector<16xf32>,
          tpu.vector_store %arg13[%swap3A_173, %swap3A_174], %select_n3A_172 {strides = array<i32>} : memref<512x64xf32, #tpu.memory_space<vmem>>, vector<16xf32>,
          %add3A_176 = arith.constant 32 : i32
          %add3A_177 = vector.broadcast %add3A_176 : i32 to vector<16xi32>
          %add3A_178 = arith.addi %iota3A, %add3A_177 : vector<16xi32>
          %gather3A_179 = tpu.vector_load_idx %arg11[%add3A_178, %add3A_143] : memref<64x256xf32, #tpu.memory_space<vmem>>[vector<16xi32>, vector<16xi32>], vector<16xf32>,
          %add3A_180 = arith.constant 32 : i32
          %add3A_181 = vector.broadcast %add3A_180 : i32 to vector<16xi32>
          %add3A_182 = arith.addi %iota3A, %add3A_181 : vector<16xi32>
          %gather3A_183 = tpu.vector_load_idx %arg9[%add3A_182, %add3A_151] : memref<64x64xf32, #tpu.memory_space<vmem>>[vector<16xi32>, vector<16xi32>], vector<16xf32>,
          %select_n3A_184 = arith.select %broadcast_in_dim3A_153, %gather3A_183, %gather3A_179 : vector<16xi1>, vector<16xf32>
          %swap3A_185 = arith.index_cast %while3A_133 : i32 to index
          %swap3A_186 = arith.constant 32 : index
          %swap3A_187 = tpu.vector_load %arg13[%swap3A_185, %swap3A_186] {strides = array<i32>} : memref<512x64xf32, #tpu.memory_space<vmem>>, vector<16xf32>,
          tpu.vector_store %arg13[%swap3A_185, %swap3A_186], %select_n3A_184 {strides = array<i32>} : memref<512x64xf32, #tpu.memory_space<vmem>>, vector<16xf32>,
          %add3A_188 = arith.constant 48 : i32
          %add3A_189 = vector.broadcast %add3A_188 : i32 to vector<16xi32>
          %add3A_190 = arith.addi %iota3A, %add3A_189 : vector<16xi32>
          %gather3A_191 = tpu.vector_load_idx %arg11[%add3A_190, %add3A_143] : memref<64x256xf32, #tpu.memory_space<vmem>>[vector<16xi32>, vector<16xi32>], vector<16xf32>,
          %add3A_192 = arith.constant 48 : i32
          %add3A_193 = vector.broadcast %add3A_192 : i32 to vector<16xi32>
          %add3A_194 = arith.addi %iota3A, %add3A_193 : vector<16xi32>
          %gather3A_195 = tpu.vector_load_idx %arg9[%add3A_194, %add3A_151] : memref<64x64xf32, #tpu.memory_space<vmem>>[vector<16xi32>, vector<16xi32>], vector<16xf32>,
          %select_n3A_196 = arith.select %broadcast_in_dim3A_153, %gather3A_195, %gather3A_191 : vector<16xi1>, vector<16xf32>
          %swap3A_197 = arith.index_cast %while3A_133 : i32 to index
          %swap3A_198 = arith.constant 48 : index
          %swap3A_199 = tpu.vector_load %arg13[%swap3A_197, %swap3A_198] {strides = array<i32>} : memref<512x64xf32, #tpu.memory_space<vmem>>, vector<16xf32>,
          tpu.vector_store %arg13[%swap3A_197, %swap3A_198], %select_n3A_196 {strides = array<i32>} : memref<512x64xf32, #tpu.memory_space<vmem>>, vector<16xf32>,
        }
        %while3A_132 = arith.constant 1 : i32
        scf.for %while3A_133 = %while3A_130 to %while3A_126 step %while3A_132  : i32 {
          %get3A_134 = arith.index_cast %while3A_133 : i32 to index
          %get3A_135 = tpu.vector_load %arg6[%get3A_134] {strides = array<i32>} : memref<528xi32, #tpu.memory_space<vmem>>, vector<16xi32>,
          %slice3A_136 = vector.extract_strided_slice %get3A_135 {offsets = [0], sizes = [1], strides = [1]} : vector<16xi32> to vector<1xi32>
          %squeeze3A_137 = vector.extract %slice3A_136[0] : i32 from vector<1xi32>
          %sub3A_138 = arith.subi %squeeze3A_137, %mul3A_123 : i32
          %jit3A_139 = arith.constant 0 : i32
          %jit3A_140 = arith.constant 255 : i32
          %max3A = arith.maxsi %jit3A_139, %sub3A_138 : i32
          %min3A_141 = arith.minsi %jit3A_140, %max3A : i32
          %add3A_142 = vector.broadcast %min3A_141 : i32 to vector<16xi32>
          %add3A_143 = arith.addi %broadcast_in_dim3A_3, %add3A_142 : vector<16xi32>
          %sub3A_144 = arith.constant 999936 : i32
          %sub3A_145 = arith.subi %squeeze3A_137, %sub3A_144 : i32
          %jit3A_146 = arith.constant 0 : i32
          %jit3A_147 = arith.constant 63 : i32
          %max3A_148 = arith.maxsi %jit3A_146, %sub3A_145 : i32
          %min3A_149 = arith.minsi %jit3A_147, %max3A_148 : i32
          %add3A_150 = vector.broadcast %min3A_149 : i32 to vector<16xi32>
          %add3A_151 = arith.addi %broadcast_in_dim3A_3, %add3A_150 : vector<16xi32>
          %ge3A = arith.constant 999936 : i32
          %ge3A_152 = arith.cmpi sge, %squeeze3A_137, %ge3A : i32
          %broadcast_in_dim3A_153 = vector.broadcast %ge3A_152 : i1 to vector<16xi1>
          %add3A_154 = arith.constant 0 : i32
          %add3A_155 = vector.broadcast %add3A_154 : i32 to vector<16xi32>
          %add3A_156 = arith.addi %iota3A, %add3A_155 : vector<16xi32>
          %gather3A = tpu.vector_load_idx %arg11[%add3A_156, %add3A_143] : memref<64x256xf32, #tpu.memory_space<vmem>>[vector<16xi32>, vector<16xi32>], vector<16xf32>,
          %add3A_157 = arith.constant 0 : i32
          %add3A_158 = vector.broadcast %add3A_157 : i32 to vector<16xi32>
          %add3A_159 = arith.addi %iota3A, %add3A_158 : vector<16xi32>
          %gather3A_160 = tpu.vector_load_idx %arg9[%add3A_159, %add3A_151] : memref<64x64xf32, #tpu.memory_space<vmem>>[vector<16xi32>, vector<16xi32>], vector<16xf32>,
          %select_n3A_161 = arith.select %broadcast_in_dim3A_153, %gather3A_160, %gather3A : vector<16xi1>, vector<16xf32>
          %swap3A = arith.index_cast %while3A_133 : i32 to index
          %swap3A_162 = arith.constant 0 : index
          %swap3A_163 = tpu.vector_load %arg13[%swap3A, %swap3A_162] {strides = array<i32>} : memref<512x64xf32, #tpu.memory_space<vmem>>, vector<16xf32>,
          tpu.vector_store %arg13[%swap3A, %swap3A_162], %select_n3A_161 {strides = array<i32>} : memref<512x64xf32, #tpu.memory_space<vmem>>, vector<16xf32>,
          %add3A_164 = arith.constant 16 : i32
          %add3A_165 = vector.broadcast %add3A_164 : i32 to vector<16xi32>
          %add3A_166 = arith.addi %iota3A, %add3A_165 : vector<16xi32>
          %gather3A_167 = tpu.vector_load_idx %arg11[%add3A_166, %add3A_143] : memref<64x256xf32, #tpu.memory_space<vmem>>[vector<16xi32>, vector<16xi32>], vector<16xf32>,
          %add3A_168 = arith.constant 16 : i32
          %add3A_169 = vector.broadcast %add3A_168 : i32 to vector<16xi32>
          %add3A_170 = arith.addi %iota3A, %add3A_169 : vector<16xi32>
          %gather3A_171 = tpu.vector_load_idx %arg9[%add3A_170, %add3A_151] : memref<64x64xf32, #tpu.memory_space<vmem>>[vector<16xi32>, vector<16xi32>], vector<16xf32>,
          %select_n3A_172 = arith.select %broadcast_in_dim3A_153, %gather3A_171, %gather3A_167 : vector<16xi1>, vector<16xf32>
          %swap3A_173 = arith.index_cast %while3A_133 : i32 to index
          %swap3A_174 = arith.constant 16 : index
          %swap3A_175 = tpu.vector_load %arg13[%swap3A_173, %swap3A_174] {strides = array<i32>} : memref<512x64xf32, #tpu.memory_space<vmem>>, vector<16xf32>,
          tpu.vector_store %arg13[%swap3A_173, %swap3A_174], %select_n3A_172 {strides = array<i32>} : memref<512x64xf32, #tpu.memory_space<vmem>>, vector<16xf32>,
          %add3A_176 = arith.constant 32 : i32
          %add3A_177 = vector.broadcast %add3A_176 : i32 to vector<16xi32>
          %add3A_178 = arith.addi %iota3A, %add3A_177 : vector<16xi32>
          %gather3A_179 = tpu.vector_load_idx %arg11[%add3A_178, %add3A_143] : memref<64x256xf32, #tpu.memory_space<vmem>>[vector<16xi32>, vector<16xi32>], vector<16xf32>,
          %add3A_180 = arith.constant 32 : i32
          %add3A_181 = vector.broadcast %add3A_180 : i32 to vector<16xi32>
          %add3A_182 = arith.addi %iota3A, %add3A_181 : vector<16xi32>
          %gather3A_183 = tpu.vector_load_idx %arg9[%add3A_182, %add3A_151] : memref<64x64xf32, #tpu.memory_space<vmem>>[vector<16xi32>, vector<16xi32>], vector<16xf32>,
          %select_n3A_184 = arith.select %broadcast_in_dim3A_153, %gather3A_183, %gather3A_179 : vector<16xi1>, vector<16xf32>
          %swap3A_185 = arith.index_cast %while3A_133 : i32 to index
          %swap3A_186 = arith.constant 32 : index
          %swap3A_187 = tpu.vector_load %arg13[%swap3A_185, %swap3A_186] {strides = array<i32>} : memref<512x64xf32, #tpu.memory_space<vmem>>, vector<16xf32>,
          tpu.vector_store %arg13[%swap3A_185, %swap3A_186], %select_n3A_184 {strides = array<i32>} : memref<512x64xf32, #tpu.memory_space<vmem>>, vector<16xf32>,
          %add3A_188 = arith.constant 48 : i32
          %add3A_189 = vector.broadcast %add3A_188 : i32 to vector<16xi32>
          %add3A_190 = arith.addi %iota3A, %add3A_189 : vector<16xi32>
          %gather3A_191 = tpu.vector_load_idx %arg11[%add3A_190, %add3A_143] : memref<64x256xf32, #tpu.memory_space<vmem>>[vector<16xi32>, vector<16xi32>], vector<16xf32>,
          %add3A_192 = arith.constant 48 : i32
          %add3A_193 = vector.broadcast %add3A_192 : i32 to vector<16xi32>
          %add3A_194 = arith.addi %iota3A, %add3A_193 : vector<16xi32>
          %gather3A_195 = tpu.vector_load_idx %arg9[%add3A_194, %add3A_151] : memref<64x64xf32, #tpu.memory_space<vmem>>[vector<16xi32>, vector<16xi32>], vector<16xf32>,
          %select_n3A_196 = arith.select %broadcast_in_dim3A_153, %gather3A_195, %gather3A_191 : vector<16xi1>, vector<16xf32>
          %swap3A_197 = arith.index_cast %while3A_133 : i32 to index
          %swap3A_198 = arith.constant 48 : index
          %swap3A_199 = tpu.vector_load %arg13[%swap3A_197, %swap3A_198] {strides = array<i32>} : memref<512x64xf32, #tpu.memory_space<vmem>>, vector<16xf32>,
          tpu.vector_store %arg13[%swap3A_197, %swap3A_198], %select_n3A_196 {strides = array<i32>} : memref<512x64xf32, #tpu.memory_space<vmem>>, vector<16xf32>,
        }
      } else {
      }
      %mul3A_86 = arith.constant 3 : i32
      %mul3A_87 = arith.muli %while3A_70, %mul3A_86 : i32
      %add3A_88 = arith.constant 2 : i32
      %add3A_89 = arith.addi %mul3A_87, %add3A_88 : i32
      %lt3A_90 = arith.cmpi slt, %add3A_89, %scan3A_29#0 : i32
      %convert_element_type3A_91 = arith.extui %lt3A_90 : i1 to i32
      %cond3A_92 = arith.constant 0 : i32
      %cond3A_93 = arith.cmpi ne, %convert_element_type3A_91, %cond3A_92 : i32
      scf.if %cond3A_93 {
        %dma_wait3A = arith.constant 0 : i32
        %dma_wait3A_94 = arith.constant 0 : i32
        %dma_wait3A_95 = tpu.memref_slice %arg3[%dma_wait3A, %dma_wait3A_94] : memref<64x1000000xf32, #tpu.memory_space<hbm>> -> memref<64x256xf32, #tpu.memory_space<hbm>>
        %dma_wait3A_96 = arith.constant 0 : i32
        %dma_wait3A_97 = arith.constant 0 : i32
        %dma_wait3A_98 = tpu.memref_slice %arg3[%dma_wait3A_96, %dma_wait3A_97] : memref<64x1000000xf32, #tpu.memory_space<hbm>> -> memref<64x256xf32, #tpu.memory_space<hbm>>
        tpu.wait_dma2 semaphore(%arg16 : memref<!tpu.dma_semaphore, #tpu.memory_space<semaphore_mem>>) src(%dma_wait3A_98 : memref<64x256xf32, #tpu.memory_space<hbm>>) dst(%arg12 : memref<64x256xf32, #tpu.memory_space<vmem>>)
        %add3A_99 = arith.constant 2 : i32
        %add3A_100 = arith.addi %add3A_89, %add3A_99 : i32
        %lt3A_101 = arith.cmpi slt, %add3A_100, %scan3A_29#0 : i32
        %convert_element_type3A_102 = arith.extui %lt3A_101 : i1 to i32
        %cond3A_103 = arith.constant 0 : i32
        %cond3A_104 = arith.cmpi ne, %convert_element_type3A_102, %cond3A_103 : i32
        scf.if %cond3A_104 {
          %add3A_133 = arith.constant 2 : i32
          %add3A_134 = arith.addi %add3A_89, %add3A_133 : i32
          %get3A_135 = arith.index_cast %add3A_134 : i32 to index
          %get3A_136 = tpu.vector_load %arg7[%get3A_135] {strides = array<i32>} : memref<528xi32, #tpu.memory_space<vmem>>, vector<16xi32>,
          %slice3A_137 = vector.extract_strided_slice %get3A_136 {offsets = [0], sizes = [1], strides = [1]} : vector<16xi32> to vector<1xi32>
          %squeeze3A_138 = vector.extract %slice3A_137[0] : i32 from vector<1xi32>
          %mul3A_139 = arith.constant 128 : i32
          %mul3A_140 = arith.muli %squeeze3A_138, %mul3A_139 : i32
          %multiple_of3A_141 = tpu.assume_multiple %mul3A_140, 128 : i32
          %dma_start3A_142 = arith.constant 0 : i32
          %dma_start3A_143 = tpu.memref_slice %arg3[%dma_start3A_142, %multiple_of3A_141] : memref<64x1000000xf32, #tpu.memory_space<hbm>> -> memref<64x256xf32, #tpu.memory_space<hbm>>
          %dma_start3A_144 = arith.constant 0 : i32
          %dma_start3A_145 = tpu.memref_slice %arg3[%dma_start3A_144, %multiple_of3A_141] : memref<64x1000000xf32, #tpu.memory_space<hbm>> -> memref<64x256xf32, #tpu.memory_space<hbm>>
          tpu.enqueue_dma source(%dma_start3A_145 : memref<64x256xf32, #tpu.memory_space<hbm>>) target(%arg11 : memref<64x256xf32, #tpu.memory_space<vmem>>) target_semaphore(%arg15 : memref<!tpu.dma_semaphore, #tpu.memory_space<semaphore_mem>>)
        } else {
        }
        %get3A_105 = arith.index_cast %add3A_89 : i32 to index
        %get3A_106 = tpu.vector_load %arg7[%get3A_105] {strides = array<i32>} : memref<528xi32, #tpu.memory_space<vmem>>, vector<16xi32>,
        %slice3A_107 = vector.extract_strided_slice %get3A_106 {offsets = [0], sizes = [1], strides = [1]} : vector<16xi32> to vector<1xi32>
        %squeeze3A_108 = vector.extract %slice3A_107[0] : i32 from vector<1xi32>
        %mul3A_109 = arith.constant 128 : i32
        %mul3A_110 = arith.muli %squeeze3A_108, %mul3A_109 : i32
        %multiple_of3A_111 = tpu.assume_multiple %mul3A_110, 128 : i32
        %get3A_112 = arith.index_cast %add3A_89 : i32 to index
        %get3A_113 = tpu.vector_load %arg8[%get3A_112] {strides = array<i32>} : memref<528xi32, #tpu.memory_space<vmem>>, vector<16xi32>,
        %slice3A_114 = vector.extract_strided_slice %get3A_113 {offsets = [0], sizes = [1], strides = [1]} : vector<16xi32> to vector<1xi32>
        %squeeze3A_115 = vector.extract %slice3A_114[0] : i32 from vector<1xi32>
        %add3A_116 = arith.constant 1 : i32
        %add3A_117 = arith.addi %add3A_89, %add3A_116 : i32
        %get3A_118 = arith.index_cast %add3A_117 : i32 to index
        %get3A_119 = tpu.vector_load %arg8[%get3A_118] {strides = array<i32>} : memref<528xi32, #tpu.memory_space<vmem>>, vector<16xi32>,
        %slice3A_120 = vector.extract_strided_slice %get3A_119 {offsets = [0], sizes = [1], strides = [1]} : vector<16xi32> to vector<1xi32>
        %squeeze3A_121 = vector.extract %slice3A_120[0] : i32 from vector<1xi32>
        %mul3A_122 = arith.constant 128 : i32
        %mul3A_123 = arith.muli %squeeze3A_108, %mul3A_122 : i32
        %while3A_124 = arith.constant 0 : i32
        %while3A_125 = arith.subi %squeeze3A_121, %squeeze3A_115 : i32
        %while3A_126 = arith.addi %squeeze3A_115, %while3A_125 : i32
        %while3A_127 = arith.constant 1 : i32
        %while3A_128 = arith.divsi %while3A_125, %while3A_127 : i32
        %while3A_129 = arith.muli %while3A_128, %while3A_127 : i32
        %while3A_130 = arith.addi %squeeze3A_115, %while3A_129 : i32
        %while3A_131 = arith.constant 1 : i32
        scf.for %while3A_133 = %squeeze3A_115 to %while3A_130 step %while3A_131  : i32 {
          %get3A_134 = arith.index_cast %while3A_133 : i32 to index
          %get3A_135 = tpu.vector_load %arg6[%get3A_134] {strides = array<i32>} : memref<528xi32, #tpu.memory_space<vmem>>, vector<16xi32>,
          %slice3A_136 = vector.extract_strided_slice %get3A_135 {offsets = [0], sizes = [1], strides = [1]} : vector<16xi32> to vector<1xi32>
          %squeeze3A_137 = vector.extract %slice3A_136[0] : i32 from vector<1xi32>
          %sub3A_138 = arith.subi %squeeze3A_137, %mul3A_123 : i32
          %jit3A_139 = arith.constant 0 : i32
          %jit3A_140 = arith.constant 255 : i32
          %max3A = arith.maxsi %jit3A_139, %sub3A_138 : i32
          %min3A_141 = arith.minsi %jit3A_140, %max3A : i32
          %add3A_142 = vector.broadcast %min3A_141 : i32 to vector<16xi32>
          %add3A_143 = arith.addi %broadcast_in_dim3A_3, %add3A_142 : vector<16xi32>
          %sub3A_144 = arith.constant 999936 : i32
          %sub3A_145 = arith.subi %squeeze3A_137, %sub3A_144 : i32
          %jit3A_146 = arith.constant 0 : i32
          %jit3A_147 = arith.constant 63 : i32
          %max3A_148 = arith.maxsi %jit3A_146, %sub3A_145 : i32
          %min3A_149 = arith.minsi %jit3A_147, %max3A_148 : i32
          %add3A_150 = vector.broadcast %min3A_149 : i32 to vector<16xi32>
          %add3A_151 = arith.addi %broadcast_in_dim3A_3, %add3A_150 : vector<16xi32>
          %ge3A = arith.constant 999936 : i32
          %ge3A_152 = arith.cmpi sge, %squeeze3A_137, %ge3A : i32
          %broadcast_in_dim3A_153 = vector.broadcast %ge3A_152 : i1 to vector<16xi1>
          %add3A_154 = arith.constant 0 : i32
          %add3A_155 = vector.broadcast %add3A_154 : i32 to vector<16xi32>
          %add3A_156 = arith.addi %iota3A, %add3A_155 : vector<16xi32>
          %gather3A = tpu.vector_load_idx %arg12[%add3A_156, %add3A_143] : memref<64x256xf32, #tpu.memory_space<vmem>>[vector<16xi32>, vector<16xi32>], vector<16xf32>,
          %add3A_157 = arith.constant 0 : i32
          %add3A_158 = vector.broadcast %add3A_157 : i32 to vector<16xi32>
          %add3A_159 = arith.addi %iota3A, %add3A_158 : vector<16xi32>
          %gather3A_160 = tpu.vector_load_idx %arg9[%add3A_159, %add3A_151] : memref<64x64xf32, #tpu.memory_space<vmem>>[vector<16xi32>, vector<16xi32>], vector<16xf32>,
          %select_n3A_161 = arith.select %broadcast_in_dim3A_153, %gather3A_160, %gather3A : vector<16xi1>, vector<16xf32>
          %swap3A = arith.index_cast %while3A_133 : i32 to index
          %swap3A_162 = arith.constant 0 : index
          %swap3A_163 = tpu.vector_load %arg13[%swap3A, %swap3A_162] {strides = array<i32>} : memref<512x64xf32, #tpu.memory_space<vmem>>, vector<16xf32>,
          tpu.vector_store %arg13[%swap3A, %swap3A_162], %select_n3A_161 {strides = array<i32>} : memref<512x64xf32, #tpu.memory_space<vmem>>, vector<16xf32>,
          %add3A_164 = arith.constant 16 : i32
          %add3A_165 = vector.broadcast %add3A_164 : i32 to vector<16xi32>
          %add3A_166 = arith.addi %iota3A, %add3A_165 : vector<16xi32>
          %gather3A_167 = tpu.vector_load_idx %arg12[%add3A_166, %add3A_143] : memref<64x256xf32, #tpu.memory_space<vmem>>[vector<16xi32>, vector<16xi32>], vector<16xf32>,
          %add3A_168 = arith.constant 16 : i32
          %add3A_169 = vector.broadcast %add3A_168 : i32 to vector<16xi32>
          %add3A_170 = arith.addi %iota3A, %add3A_169 : vector<16xi32>
          %gather3A_171 = tpu.vector_load_idx %arg9[%add3A_170, %add3A_151] : memref<64x64xf32, #tpu.memory_space<vmem>>[vector<16xi32>, vector<16xi32>], vector<16xf32>,
          %select_n3A_172 = arith.select %broadcast_in_dim3A_153, %gather3A_171, %gather3A_167 : vector<16xi1>, vector<16xf32>
          %swap3A_173 = arith.index_cast %while3A_133 : i32 to index
          %swap3A_174 = arith.constant 16 : index
          %swap3A_175 = tpu.vector_load %arg13[%swap3A_173, %swap3A_174] {strides = array<i32>} : memref<512x64xf32, #tpu.memory_space<vmem>>, vector<16xf32>,
          tpu.vector_store %arg13[%swap3A_173, %swap3A_174], %select_n3A_172 {strides = array<i32>} : memref<512x64xf32, #tpu.memory_space<vmem>>, vector<16xf32>,
          %add3A_176 = arith.constant 32 : i32
          %add3A_177 = vector.broadcast %add3A_176 : i32 to vector<16xi32>
          %add3A_178 = arith.addi %iota3A, %add3A_177 : vector<16xi32>
          %gather3A_179 = tpu.vector_load_idx %arg12[%add3A_178, %add3A_143] : memref<64x256xf32, #tpu.memory_space<vmem>>[vector<16xi32>, vector<16xi32>], vector<16xf32>,
          %add3A_180 = arith.constant 32 : i32
          %add3A_181 = vector.broadcast %add3A_180 : i32 to vector<16xi32>
          %add3A_182 = arith.addi %iota3A, %add3A_181 : vector<16xi32>
          %gather3A_183 = tpu.vector_load_idx %arg9[%add3A_182, %add3A_151] : memref<64x64xf32, #tpu.memory_space<vmem>>[vector<16xi32>, vector<16xi32>], vector<16xf32>,
          %select_n3A_184 = arith.select %broadcast_in_dim3A_153, %gather3A_183, %gather3A_179 : vector<16xi1>, vector<16xf32>
          %swap3A_185 = arith.index_cast %while3A_133 : i32 to index
          %swap3A_186 = arith.constant 32 : index
          %swap3A_187 = tpu.vector_load %arg13[%swap3A_185, %swap3A_186] {strides = array<i32>} : memref<512x64xf32, #tpu.memory_space<vmem>>, vector<16xf32>,
          tpu.vector_store %arg13[%swap3A_185, %swap3A_186], %select_n3A_184 {strides = array<i32>} : memref<512x64xf32, #tpu.memory_space<vmem>>, vector<16xf32>,
          %add3A_188 = arith.constant 48 : i32
          %add3A_189 = vector.broadcast %add3A_188 : i32 to vector<16xi32>
          %add3A_190 = arith.addi %iota3A, %add3A_189 : vector<16xi32>
          %gather3A_191 = tpu.vector_load_idx %arg12[%add3A_190, %add3A_143] : memref<64x256xf32, #tpu.memory_space<vmem>>[vector<16xi32>, vector<16xi32>], vector<16xf32>,
          %add3A_192 = arith.constant 48 : i32
          %add3A_193 = vector.broadcast %add3A_192 : i32 to vector<16xi32>
          %add3A_194 = arith.addi %iota3A, %add3A_193 : vector<16xi32>
          %gather3A_195 = tpu.vector_load_idx %arg9[%add3A_194, %add3A_151] : memref<64x64xf32, #tpu.memory_space<vmem>>[vector<16xi32>, vector<16xi32>], vector<16xf32>,
          %select_n3A_196 = arith.select %broadcast_in_dim3A_153, %gather3A_195, %gather3A_191 : vector<16xi1>, vector<16xf32>
          %swap3A_197 = arith.index_cast %while3A_133 : i32 to index
          %swap3A_198 = arith.constant 48 : index
          %swap3A_199 = tpu.vector_load %arg13[%swap3A_197, %swap3A_198] {strides = array<i32>} : memref<512x64xf32, #tpu.memory_space<vmem>>, vector<16xf32>,
          tpu.vector_store %arg13[%swap3A_197, %swap3A_198], %select_n3A_196 {strides = array<i32>} : memref<512x64xf32, #tpu.memory_space<vmem>>, vector<16xf32>,
        }
        %while3A_132 = arith.constant 1 : i32
        scf.for %while3A_133 = %while3A_130 to %while3A_126 step %while3A_132  : i32 {
          %get3A_134 = arith.index_cast %while3A_133 : i32 to index
          %get3A_135 = tpu.vector_load %arg6[%get3A_134] {strides = array<i32>} : memref<528xi32, #tpu.memory_space<vmem>>, vector<16xi32>,
          %slice3A_136 = vector.extract_strided_slice %get3A_135 {offsets = [0], sizes = [1], strides = [1]} : vector<16xi32> to vector<1xi32>
          %squeeze3A_137 = vector.extract %slice3A_136[0] : i32 from vector<1xi32>
          %sub3A_138 = arith.subi %squeeze3A_137, %mul3A_123 : i32
          %jit3A_139 = arith.constant 0 : i32
          %jit3A_140 = arith.constant 255 : i32
          %max3A = arith.maxsi %jit3A_139, %sub3A_138 : i32
          %min3A_141 = arith.minsi %jit3A_140, %max3A : i32
          %add3A_142 = vector.broadcast %min3A_141 : i32 to vector<16xi32>
          %add3A_143 = arith.addi %broadcast_in_dim3A_3, %add3A_142 : vector<16xi32>
          %sub3A_144 = arith.constant 999936 : i32
          %sub3A_145 = arith.subi %squeeze3A_137, %sub3A_144 : i32
          %jit3A_146 = arith.constant 0 : i32
          %jit3A_147 = arith.constant 63 : i32
          %max3A_148 = arith.maxsi %jit3A_146, %sub3A_145 : i32
          %min3A_149 = arith.minsi %jit3A_147, %max3A_148 : i32
          %add3A_150 = vector.broadcast %min3A_149 : i32 to vector<16xi32>
          %add3A_151 = arith.addi %broadcast_in_dim3A_3, %add3A_150 : vector<16xi32>
          %ge3A = arith.constant 999936 : i32
          %ge3A_152 = arith.cmpi sge, %squeeze3A_137, %ge3A : i32
          %broadcast_in_dim3A_153 = vector.broadcast %ge3A_152 : i1 to vector<16xi1>
          %add3A_154 = arith.constant 0 : i32
          %add3A_155 = vector.broadcast %add3A_154 : i32 to vector<16xi32>
          %add3A_156 = arith.addi %iota3A, %add3A_155 : vector<16xi32>
          %gather3A = tpu.vector_load_idx %arg12[%add3A_156, %add3A_143] : memref<64x256xf32, #tpu.memory_space<vmem>>[vector<16xi32>, vector<16xi32>], vector<16xf32>,
          %add3A_157 = arith.constant 0 : i32
          %add3A_158 = vector.broadcast %add3A_157 : i32 to vector<16xi32>
          %add3A_159 = arith.addi %iota3A, %add3A_158 : vector<16xi32>
          %gather3A_160 = tpu.vector_load_idx %arg9[%add3A_159, %add3A_151] : memref<64x64xf32, #tpu.memory_space<vmem>>[vector<16xi32>, vector<16xi32>], vector<16xf32>,
          %select_n3A_161 = arith.select %broadcast_in_dim3A_153, %gather3A_160, %gather3A : vector<16xi1>, vector<16xf32>
          %swap3A = arith.index_cast %while3A_133 : i32 to index
          %swap3A_162 = arith.constant 0 : index
          %swap3A_163 = tpu.vector_load %arg13[%swap3A, %swap3A_162] {strides = array<i32>} : memref<512x64xf32, #tpu.memory_space<vmem>>, vector<16xf32>,
          tpu.vector_store %arg13[%swap3A, %swap3A_162], %select_n3A_161 {strides = array<i32>} : memref<512x64xf32, #tpu.memory_space<vmem>>, vector<16xf32>,
          %add3A_164 = arith.constant 16 : i32
          %add3A_165 = vector.broadcast %add3A_164 : i32 to vector<16xi32>
          %add3A_166 = arith.addi %iota3A, %add3A_165 : vector<16xi32>
          %gather3A_167 = tpu.vector_load_idx %arg12[%add3A_166, %add3A_143] : memref<64x256xf32, #tpu.memory_space<vmem>>[vector<16xi32>, vector<16xi32>], vector<16xf32>,
          %add3A_168 = arith.constant 16 : i32
          %add3A_169 = vector.broadcast %add3A_168 : i32 to vector<16xi32>
          %add3A_170 = arith.addi %iota3A, %add3A_169 : vector<16xi32>
          %gather3A_171 = tpu.vector_load_idx %arg9[%add3A_170, %add3A_151] : memref<64x64xf32, #tpu.memory_space<vmem>>[vector<16xi32>, vector<16xi32>], vector<16xf32>,
          %select_n3A_172 = arith.select %broadcast_in_dim3A_153, %gather3A_171, %gather3A_167 : vector<16xi1>, vector<16xf32>
          %swap3A_173 = arith.index_cast %while3A_133 : i32 to index
          %swap3A_174 = arith.constant 16 : index
          %swap3A_175 = tpu.vector_load %arg13[%swap3A_173, %swap3A_174] {strides = array<i32>} : memref<512x64xf32, #tpu.memory_space<vmem>>, vector<16xf32>,
          tpu.vector_store %arg13[%swap3A_173, %swap3A_174], %select_n3A_172 {strides = array<i32>} : memref<512x64xf32, #tpu.memory_space<vmem>>, vector<16xf32>,
          %add3A_176 = arith.constant 32 : i32
          %add3A_177 = vector.broadcast %add3A_176 : i32 to vector<16xi32>
          %add3A_178 = arith.addi %iota3A, %add3A_177 : vector<16xi32>
          %gather3A_179 = tpu.vector_load_idx %arg12[%add3A_178, %add3A_143] : memref<64x256xf32, #tpu.memory_space<vmem>>[vector<16xi32>, vector<16xi32>], vector<16xf32>,
          %add3A_180 = arith.constant 32 : i32
          %add3A_181 = vector.broadcast %add3A_180 : i32 to vector<16xi32>
          %add3A_182 = arith.addi %iota3A, %add3A_181 : vector<16xi32>
          %gather3A_183 = tpu.vector_load_idx %arg9[%add3A_182, %add3A_151] : memref<64x64xf32, #tpu.memory_space<vmem>>[vector<16xi32>, vector<16xi32>], vector<16xf32>,
          %select_n3A_184 = arith.select %broadcast_in_dim3A_153, %gather3A_183, %gather3A_179 : vector<16xi1>, vector<16xf32>
          %swap3A_185 = arith.index_cast %while3A_133 : i32 to index
          %swap3A_186 = arith.constant 32 : index
          %swap3A_187 = tpu.vector_load %arg13[%swap3A_185, %swap3A_186] {strides = array<i32>} : memref<512x64xf32, #tpu.memory_space<vmem>>, vector<16xf32>,
          tpu.vector_store %arg13[%swap3A_185, %swap3A_186], %select_n3A_184 {strides = array<i32>} : memref<512x64xf32, #tpu.memory_space<vmem>>, vector<16xf32>,
          %add3A_188 = arith.constant 48 : i32
          %add3A_189 = vector.broadcast %add3A_188 : i32 to vector<16xi32>
          %add3A_190 = arith.addi %iota3A, %add3A_189 : vector<16xi32>
          %gather3A_191 = tpu.vector_load_idx %arg12[%add3A_190, %add3A_143] : memref<64x256xf32, #tpu.memory_space<vmem>>[vector<16xi32>, vector<16xi32>], vector<16xf32>,
          %add3A_192 = arith.constant 48 : i32
          %add3A_193 = vector.broadcast %add3A_192 : i32 to vector<16xi32>
          %add3A_194 = arith.addi %iota3A, %add3A_193 : vector<16xi32>
          %gather3A_195 = tpu.vector_load_idx %arg9[%add3A_194, %add3A_151] : memref<64x64xf32, #tpu.memory_space<vmem>>[vector<16xi32>, vector<16xi32>], vector<16xf32>,
          %select_n3A_196 = arith.select %broadcast_in_dim3A_153, %gather3A_195, %gather3A_191 : vector<16xi1>, vector<16xf32>
          %swap3A_197 = arith.index_cast %while3A_133 : i32 to index
          %swap3A_198 = arith.constant 48 : index
          %swap3A_199 = tpu.vector_load %arg13[%swap3A_197, %swap3A_198] {strides = array<i32>} : memref<512x64xf32, #tpu.memory_space<vmem>>, vector<16xf32>,
          tpu.vector_store %arg13[%swap3A_197, %swap3A_198], %select_n3A_196 {strides = array<i32>} : memref<512x64xf32, #tpu.memory_space<vmem>>, vector<16xf32>,
        }
      } else {
      }
    }
    %while3A_69 = arith.constant 1 : i32
    scf.for %while3A_70 = %while3A_67 to %while3A_63 step %while3A_69  : i32 {
      %mul3A_71 = arith.constant 3 : i32
      %mul3A_72 = arith.muli %while3A_70, %mul3A_71 : i32
      %add3A_73 = arith.constant 0 : i32
      %add3A_74 = arith.addi %mul3A_72, %add3A_73 : i32
      %lt3A = arith.cmpi slt, %add3A_74, %scan3A_29#0 : i32
      %convert_element_type3A_75 = arith.extui %lt3A : i1 to i32
      %cond3A_76 = arith.constant 0 : i32
      %cond3A_77 = arith.cmpi ne, %convert_element_type3A_75, %cond3A_76 : i32
      scf.if %cond3A_77 {
        %dma_wait3A = arith.constant 0 : i32
        %dma_wait3A_94 = arith.constant 0 : i32
        %dma_wait3A_95 = tpu.memref_slice %arg3[%dma_wait3A, %dma_wait3A_94] : memref<64x1000000xf32, #tpu.memory_space<hbm>> -> memref<64x256xf32, #tpu.memory_space<hbm>>
        %dma_wait3A_96 = arith.constant 0 : i32
        %dma_wait3A_97 = arith.constant 0 : i32
        %dma_wait3A_98 = tpu.memref_slice %arg3[%dma_wait3A_96, %dma_wait3A_97] : memref<64x1000000xf32, #tpu.memory_space<hbm>> -> memref<64x256xf32, #tpu.memory_space<hbm>>
        tpu.wait_dma2 semaphore(%arg14 : memref<!tpu.dma_semaphore, #tpu.memory_space<semaphore_mem>>) src(%dma_wait3A_98 : memref<64x256xf32, #tpu.memory_space<hbm>>) dst(%arg10 : memref<64x256xf32, #tpu.memory_space<vmem>>)
        %add3A_99 = arith.constant 2 : i32
        %add3A_100 = arith.addi %add3A_74, %add3A_99 : i32
        %lt3A_101 = arith.cmpi slt, %add3A_100, %scan3A_29#0 : i32
        %convert_element_type3A_102 = arith.extui %lt3A_101 : i1 to i32
        %cond3A_103 = arith.constant 0 : i32
        %cond3A_104 = arith.cmpi ne, %convert_element_type3A_102, %cond3A_103 : i32
        scf.if %cond3A_104 {
          %add3A_133 = arith.constant 2 : i32
          %add3A_134 = arith.addi %add3A_74, %add3A_133 : i32
          %get3A_135 = arith.index_cast %add3A_134 : i32 to index
          %get3A_136 = tpu.vector_load %arg7[%get3A_135] {strides = array<i32>} : memref<528xi32, #tpu.memory_space<vmem>>, vector<16xi32>,
          %slice3A_137 = vector.extract_strided_slice %get3A_136 {offsets = [0], sizes = [1], strides = [1]} : vector<16xi32> to vector<1xi32>
          %squeeze3A_138 = vector.extract %slice3A_137[0] : i32 from vector<1xi32>
          %mul3A_139 = arith.constant 128 : i32
          %mul3A_140 = arith.muli %squeeze3A_138, %mul3A_139 : i32
          %multiple_of3A_141 = tpu.assume_multiple %mul3A_140, 128 : i32
          %dma_start3A_142 = arith.constant 0 : i32
          %dma_start3A_143 = tpu.memref_slice %arg3[%dma_start3A_142, %multiple_of3A_141] : memref<64x1000000xf32, #tpu.memory_space<hbm>> -> memref<64x256xf32, #tpu.memory_space<hbm>>
          %dma_start3A_144 = arith.constant 0 : i32
          %dma_start3A_145 = tpu.memref_slice %arg3[%dma_start3A_144, %multiple_of3A_141] : memref<64x1000000xf32, #tpu.memory_space<hbm>> -> memref<64x256xf32, #tpu.memory_space<hbm>>
          tpu.enqueue_dma source(%dma_start3A_145 : memref<64x256xf32, #tpu.memory_space<hbm>>) target(%arg12 : memref<64x256xf32, #tpu.memory_space<vmem>>) target_semaphore(%arg16 : memref<!tpu.dma_semaphore, #tpu.memory_space<semaphore_mem>>)
        } else {
        }
        %get3A_105 = arith.index_cast %add3A_74 : i32 to index
        %get3A_106 = tpu.vector_load %arg7[%get3A_105] {strides = array<i32>} : memref<528xi32, #tpu.memory_space<vmem>>, vector<16xi32>,
        %slice3A_107 = vector.extract_strided_slice %get3A_106 {offsets = [0], sizes = [1], strides = [1]} : vector<16xi32> to vector<1xi32>
        %squeeze3A_108 = vector.extract %slice3A_107[0] : i32 from vector<1xi32>
        %mul3A_109 = arith.constant 128 : i32
        %mul3A_110 = arith.muli %squeeze3A_108, %mul3A_109 : i32
        %multiple_of3A_111 = tpu.assume_multiple %mul3A_110, 128 : i32
        %get3A_112 = arith.index_cast %add3A_74 : i32 to index
        %get3A_113 = tpu.vector_load %arg8[%get3A_112] {strides = array<i32>} : memref<528xi32, #tpu.memory_space<vmem>>, vector<16xi32>,
        %slice3A_114 = vector.extract_strided_slice %get3A_113 {offsets = [0], sizes = [1], strides = [1]} : vector<16xi32> to vector<1xi32>
        %squeeze3A_115 = vector.extract %slice3A_114[0] : i32 from vector<1xi32>
        %add3A_116 = arith.constant 1 : i32
        %add3A_117 = arith.addi %add3A_74, %add3A_116 : i32
        %get3A_118 = arith.index_cast %add3A_117 : i32 to index
        %get3A_119 = tpu.vector_load %arg8[%get3A_118] {strides = array<i32>} : memref<528xi32, #tpu.memory_space<vmem>>, vector<16xi32>,
        %slice3A_120 = vector.extract_strided_slice %get3A_119 {offsets = [0], sizes = [1], strides = [1]} : vector<16xi32> to vector<1xi32>
        %squeeze3A_121 = vector.extract %slice3A_120[0] : i32 from vector<1xi32>
        %mul3A_122 = arith.constant 128 : i32
        %mul3A_123 = arith.muli %squeeze3A_108, %mul3A_122 : i32
        %while3A_124 = arith.constant 0 : i32
        %while3A_125 = arith.subi %squeeze3A_121, %squeeze3A_115 : i32
        %while3A_126 = arith.addi %squeeze3A_115, %while3A_125 : i32
        %while3A_127 = arith.constant 1 : i32
        %while3A_128 = arith.divsi %while3A_125, %while3A_127 : i32
        %while3A_129 = arith.muli %while3A_128, %while3A_127 : i32
        %while3A_130 = arith.addi %squeeze3A_115, %while3A_129 : i32
        %while3A_131 = arith.constant 1 : i32
        scf.for %while3A_133 = %squeeze3A_115 to %while3A_130 step %while3A_131  : i32 {
          %get3A_134 = arith.index_cast %while3A_133 : i32 to index
          %get3A_135 = tpu.vector_load %arg6[%get3A_134] {strides = array<i32>} : memref<528xi32, #tpu.memory_space<vmem>>, vector<16xi32>,
          %slice3A_136 = vector.extract_strided_slice %get3A_135 {offsets = [0], sizes = [1], strides = [1]} : vector<16xi32> to vector<1xi32>
          %squeeze3A_137 = vector.extract %slice3A_136[0] : i32 from vector<1xi32>
          %sub3A_138 = arith.subi %squeeze3A_137, %mul3A_123 : i32
          %jit3A_139 = arith.constant 0 : i32
          %jit3A_140 = arith.constant 255 : i32
          %max3A = arith.maxsi %jit3A_139, %sub3A_138 : i32
          %min3A_141 = arith.minsi %jit3A_140, %max3A : i32
          %add3A_142 = vector.broadcast %min3A_141 : i32 to vector<16xi32>
          %add3A_143 = arith.addi %broadcast_in_dim3A_3, %add3A_142 : vector<16xi32>
          %sub3A_144 = arith.constant 999936 : i32
          %sub3A_145 = arith.subi %squeeze3A_137, %sub3A_144 : i32
          %jit3A_146 = arith.constant 0 : i32
          %jit3A_147 = arith.constant 63 : i32
          %max3A_148 = arith.maxsi %jit3A_146, %sub3A_145 : i32
          %min3A_149 = arith.minsi %jit3A_147, %max3A_148 : i32
          %add3A_150 = vector.broadcast %min3A_149 : i32 to vector<16xi32>
          %add3A_151 = arith.addi %broadcast_in_dim3A_3, %add3A_150 : vector<16xi32>
          %ge3A = arith.constant 999936 : i32
          %ge3A_152 = arith.cmpi sge, %squeeze3A_137, %ge3A : i32
          %broadcast_in_dim3A_153 = vector.broadcast %ge3A_152 : i1 to vector<16xi1>
          %add3A_154 = arith.constant 0 : i32
          %add3A_155 = vector.broadcast %add3A_154 : i32 to vector<16xi32>
          %add3A_156 = arith.addi %iota3A, %add3A_155 : vector<16xi32>
          %gather3A = tpu.vector_load_idx %arg10[%add3A_156, %add3A_143] : memref<64x256xf32, #tpu.memory_space<vmem>>[vector<16xi32>, vector<16xi32>], vector<16xf32>,
          %add3A_157 = arith.constant 0 : i32
          %add3A_158 = vector.broadcast %add3A_157 : i32 to vector<16xi32>
          %add3A_159 = arith.addi %iota3A, %add3A_158 : vector<16xi32>
          %gather3A_160 = tpu.vector_load_idx %arg9[%add3A_159, %add3A_151] : memref<64x64xf32, #tpu.memory_space<vmem>>[vector<16xi32>, vector<16xi32>], vector<16xf32>,
          %select_n3A_161 = arith.select %broadcast_in_dim3A_153, %gather3A_160, %gather3A : vector<16xi1>, vector<16xf32>
          %swap3A = arith.index_cast %while3A_133 : i32 to index
          %swap3A_162 = arith.constant 0 : index
          %swap3A_163 = tpu.vector_load %arg13[%swap3A, %swap3A_162] {strides = array<i32>} : memref<512x64xf32, #tpu.memory_space<vmem>>, vector<16xf32>,
          tpu.vector_store %arg13[%swap3A, %swap3A_162], %select_n3A_161 {strides = array<i32>} : memref<512x64xf32, #tpu.memory_space<vmem>>, vector<16xf32>,
          %add3A_164 = arith.constant 16 : i32
          %add3A_165 = vector.broadcast %add3A_164 : i32 to vector<16xi32>
          %add3A_166 = arith.addi %iota3A, %add3A_165 : vector<16xi32>
          %gather3A_167 = tpu.vector_load_idx %arg10[%add3A_166, %add3A_143] : memref<64x256xf32, #tpu.memory_space<vmem>>[vector<16xi32>, vector<16xi32>], vector<16xf32>,
          %add3A_168 = arith.constant 16 : i32
          %add3A_169 = vector.broadcast %add3A_168 : i32 to vector<16xi32>
          %add3A_170 = arith.addi %iota3A, %add3A_169 : vector<16xi32>
          %gather3A_171 = tpu.vector_load_idx %arg9[%add3A_170, %add3A_151] : memref<64x64xf32, #tpu.memory_space<vmem>>[vector<16xi32>, vector<16xi32>], vector<16xf32>,
          %select_n3A_172 = arith.select %broadcast_in_dim3A_153, %gather3A_171, %gather3A_167 : vector<16xi1>, vector<16xf32>
          %swap3A_173 = arith.index_cast %while3A_133 : i32 to index
          %swap3A_174 = arith.constant 16 : index
          %swap3A_175 = tpu.vector_load %arg13[%swap3A_173, %swap3A_174] {strides = array<i32>} : memref<512x64xf32, #tpu.memory_space<vmem>>, vector<16xf32>,
          tpu.vector_store %arg13[%swap3A_173, %swap3A_174], %select_n3A_172 {strides = array<i32>} : memref<512x64xf32, #tpu.memory_space<vmem>>, vector<16xf32>,
          %add3A_176 = arith.constant 32 : i32
          %add3A_177 = vector.broadcast %add3A_176 : i32 to vector<16xi32>
          %add3A_178 = arith.addi %iota3A, %add3A_177 : vector<16xi32>
          %gather3A_179 = tpu.vector_load_idx %arg10[%add3A_178, %add3A_143] : memref<64x256xf32, #tpu.memory_space<vmem>>[vector<16xi32>, vector<16xi32>], vector<16xf32>,
          %add3A_180 = arith.constant 32 : i32
          %add3A_181 = vector.broadcast %add3A_180 : i32 to vector<16xi32>
          %add3A_182 = arith.addi %iota3A, %add3A_181 : vector<16xi32>
          %gather3A_183 = tpu.vector_load_idx %arg9[%add3A_182, %add3A_151] : memref<64x64xf32, #tpu.memory_space<vmem>>[vector<16xi32>, vector<16xi32>], vector<16xf32>,
          %select_n3A_184 = arith.select %broadcast_in_dim3A_153, %gather3A_183, %gather3A_179 : vector<16xi1>, vector<16xf32>
          %swap3A_185 = arith.index_cast %while3A_133 : i32 to index
          %swap3A_186 = arith.constant 32 : index
          %swap3A_187 = tpu.vector_load %arg13[%swap3A_185, %swap3A_186] {strides = array<i32>} : memref<512x64xf32, #tpu.memory_space<vmem>>, vector<16xf32>,
          tpu.vector_store %arg13[%swap3A_185, %swap3A_186], %select_n3A_184 {strides = array<i32>} : memref<512x64xf32, #tpu.memory_space<vmem>>, vector<16xf32>,
          %add3A_188 = arith.constant 48 : i32
          %add3A_189 = vector.broadcast %add3A_188 : i32 to vector<16xi32>
          %add3A_190 = arith.addi %iota3A, %add3A_189 : vector<16xi32>
          %gather3A_191 = tpu.vector_load_idx %arg10[%add3A_190, %add3A_143] : memref<64x256xf32, #tpu.memory_space<vmem>>[vector<16xi32>, vector<16xi32>], vector<16xf32>,
          %add3A_192 = arith.constant 48 : i32
          %add3A_193 = vector.broadcast %add3A_192 : i32 to vector<16xi32>
          %add3A_194 = arith.addi %iota3A, %add3A_193 : vector<16xi32>
          %gather3A_195 = tpu.vector_load_idx %arg9[%add3A_194, %add3A_151] : memref<64x64xf32, #tpu.memory_space<vmem>>[vector<16xi32>, vector<16xi32>], vector<16xf32>,
          %select_n3A_196 = arith.select %broadcast_in_dim3A_153, %gather3A_195, %gather3A_191 : vector<16xi1>, vector<16xf32>
          %swap3A_197 = arith.index_cast %while3A_133 : i32 to index
          %swap3A_198 = arith.constant 48 : index
          %swap3A_199 = tpu.vector_load %arg13[%swap3A_197, %swap3A_198] {strides = array<i32>} : memref<512x64xf32, #tpu.memory_space<vmem>>, vector<16xf32>,
          tpu.vector_store %arg13[%swap3A_197, %swap3A_198], %select_n3A_196 {strides = array<i32>} : memref<512x64xf32, #tpu.memory_space<vmem>>, vector<16xf32>,
        }
        %while3A_132 = arith.constant 1 : i32
        scf.for %while3A_133 = %while3A_130 to %while3A_126 step %while3A_132  : i32 {
          %get3A_134 = arith.index_cast %while3A_133 : i32 to index
          %get3A_135 = tpu.vector_load %arg6[%get3A_134] {strides = array<i32>} : memref<528xi32, #tpu.memory_space<vmem>>, vector<16xi32>,
          %slice3A_136 = vector.extract_strided_slice %get3A_135 {offsets = [0], sizes = [1], strides = [1]} : vector<16xi32> to vector<1xi32>
          %squeeze3A_137 = vector.extract %slice3A_136[0] : i32 from vector<1xi32>
          %sub3A_138 = arith.subi %squeeze3A_137, %mul3A_123 : i32
          %jit3A_139 = arith.constant 0 : i32
          %jit3A_140 = arith.constant 255 : i32
          %max3A = arith.maxsi %jit3A_139, %sub3A_138 : i32
          %min3A_141 = arith.minsi %jit3A_140, %max3A : i32
          %add3A_142 = vector.broadcast %min3A_141 : i32 to vector<16xi32>
          %add3A_143 = arith.addi %broadcast_in_dim3A_3, %add3A_142 : vector<16xi32>
          %sub3A_144 = arith.constant 999936 : i32
          %sub3A_145 = arith.subi %squeeze3A_137, %sub3A_144 : i32
          %jit3A_146 = arith.constant 0 : i32
          %jit3A_147 = arith.constant 63 : i32
          %max3A_148 = arith.maxsi %jit3A_146, %sub3A_145 : i32
          %min3A_149 = arith.minsi %jit3A_147, %max3A_148 : i32
          %add3A_150 = vector.broadcast %min3A_149 : i32 to vector<16xi32>
          %add3A_151 = arith.addi %broadcast_in_dim3A_3, %add3A_150 : vector<16xi32>
          %ge3A = arith.constant 999936 : i32
          %ge3A_152 = arith.cmpi sge, %squeeze3A_137, %ge3A : i32
          %broadcast_in_dim3A_153 = vector.broadcast %ge3A_152 : i1 to vector<16xi1>
          %add3A_154 = arith.constant 0 : i32
          %add3A_155 = vector.broadcast %add3A_154 : i32 to vector<16xi32>
          %add3A_156 = arith.addi %iota3A, %add3A_155 : vector<16xi32>
          %gather3A = tpu.vector_load_idx %arg10[%add3A_156, %add3A_143] : memref<64x256xf32, #tpu.memory_space<vmem>>[vector<16xi32>, vector<16xi32>], vector<16xf32>,
          %add3A_157 = arith.constant 0 : i32
          %add3A_158 = vector.broadcast %add3A_157 : i32 to vector<16xi32>
          %add3A_159 = arith.addi %iota3A, %add3A_158 : vector<16xi32>
          %gather3A_160 = tpu.vector_load_idx %arg9[%add3A_159, %add3A_151] : memref<64x64xf32, #tpu.memory_space<vmem>>[vector<16xi32>, vector<16xi32>], vector<16xf32>,
          %select_n3A_161 = arith.select %broadcast_in_dim3A_153, %gather3A_160, %gather3A : vector<16xi1>, vector<16xf32>
          %swap3A = arith.index_cast %while3A_133 : i32 to index
          %swap3A_162 = arith.constant 0 : index
          %swap3A_163 = tpu.vector_load %arg13[%swap3A, %swap3A_162] {strides = array<i32>} : memref<512x64xf32, #tpu.memory_space<vmem>>, vector<16xf32>,
          tpu.vector_store %arg13[%swap3A, %swap3A_162], %select_n3A_161 {strides = array<i32>} : memref<512x64xf32, #tpu.memory_space<vmem>>, vector<16xf32>,
          %add3A_164 = arith.constant 16 : i32
          %add3A_165 = vector.broadcast %add3A_164 : i32 to vector<16xi32>
          %add3A_166 = arith.addi %iota3A, %add3A_165 : vector<16xi32>
          %gather3A_167 = tpu.vector_load_idx %arg10[%add3A_166, %add3A_143] : memref<64x256xf32, #tpu.memory_space<vmem>>[vector<16xi32>, vector<16xi32>], vector<16xf32>,
          %add3A_168 = arith.constant 16 : i32
          %add3A_169 = vector.broadcast %add3A_168 : i32 to vector<16xi32>
          %add3A_170 = arith.addi %iota3A, %add3A_169 : vector<16xi32>
          %gather3A_171 = tpu.vector_load_idx %arg9[%add3A_170, %add3A_151] : memref<64x64xf32, #tpu.memory_space<vmem>>[vector<16xi32>, vector<16xi32>], vector<16xf32>,
          %select_n3A_172 = arith.select %broadcast_in_dim3A_153, %gather3A_171, %gather3A_167 : vector<16xi1>, vector<16xf32>
          %swap3A_173 = arith.index_cast %while3A_133 : i32 to index
          %swap3A_174 = arith.constant 16 : index
          %swap3A_175 = tpu.vector_load %arg13[%swap3A_173, %swap3A_174] {strides = array<i32>} : memref<512x64xf32, #tpu.memory_space<vmem>>, vector<16xf32>,
          tpu.vector_store %arg13[%swap3A_173, %swap3A_174], %select_n3A_172 {strides = array<i32>} : memref<512x64xf32, #tpu.memory_space<vmem>>, vector<16xf32>,
          %add3A_176 = arith.constant 32 : i32
          %add3A_177 = vector.broadcast %add3A_176 : i32 to vector<16xi32>
          %add3A_178 = arith.addi %iota3A, %add3A_177 : vector<16xi32>
          %gather3A_179 = tpu.vector_load_idx %arg10[%add3A_178, %add3A_143] : memref<64x256xf32, #tpu.memory_space<vmem>>[vector<16xi32>, vector<16xi32>], vector<16xf32>,
          %add3A_180 = arith.constant 32 : i32
          %add3A_181 = vector.broadcast %add3A_180 : i32 to vector<16xi32>
          %add3A_182 = arith.addi %iota3A, %add3A_181 : vector<16xi32>
          %gather3A_183 = tpu.vector_load_idx %arg9[%add3A_182, %add3A_151] : memref<64x64xf32, #tpu.memory_space<vmem>>[vector<16xi32>, vector<16xi32>], vector<16xf32>,
          %select_n3A_184 = arith.select %broadcast_in_dim3A_153, %gather3A_183, %gather3A_179 : vector<16xi1>, vector<16xf32>
          %swap3A_185 = arith.index_cast %while3A_133 : i32 to index
          %swap3A_186 = arith.constant 32 : index
          %swap3A_187 = tpu.vector_load %arg13[%swap3A_185, %swap3A_186] {strides = array<i32>} : memref<512x64xf32, #tpu.memory_space<vmem>>, vector<16xf32>,
          tpu.vector_store %arg13[%swap3A_185, %swap3A_186], %select_n3A_184 {strides = array<i32>} : memref<512x64xf32, #tpu.memory_space<vmem>>, vector<16xf32>,
          %add3A_188 = arith.constant 48 : i32
          %add3A_189 = vector.broadcast %add3A_188 : i32 to vector<16xi32>
          %add3A_190 = arith.addi %iota3A, %add3A_189 : vector<16xi32>
          %gather3A_191 = tpu.vector_load_idx %arg10[%add3A_190, %add3A_143] : memref<64x256xf32, #tpu.memory_space<vmem>>[vector<16xi32>, vector<16xi32>], vector<16xf32>,
          %add3A_192 = arith.constant 48 : i32
          %add3A_193 = vector.broadcast %add3A_192 : i32 to vector<16xi32>
          %add3A_194 = arith.addi %iota3A, %add3A_193 : vector<16xi32>
          %gather3A_195 = tpu.vector_load_idx %arg9[%add3A_194, %add3A_151] : memref<64x64xf32, #tpu.memory_space<vmem>>[vector<16xi32>, vector<16xi32>], vector<16xf32>,
          %select_n3A_196 = arith.select %broadcast_in_dim3A_153, %gather3A_195, %gather3A_191 : vector<16xi1>, vector<16xf32>
          %swap3A_197 = arith.index_cast %while3A_133 : i32 to index
          %swap3A_198 = arith.constant 48 : index
          %swap3A_199 = tpu.vector_load %arg13[%swap3A_197, %swap3A_198] {strides = array<i32>} : memref<512x64xf32, #tpu.memory_space<vmem>>, vector<16xf32>,
          tpu.vector_store %arg13[%swap3A_197, %swap3A_198], %select_n3A_196 {strides = array<i32>} : memref<512x64xf32, #tpu.memory_space<vmem>>, vector<16xf32>,
        }
      } else {
      }
      %mul3A_78 = arith.constant 3 : i32
      %mul3A_79 = arith.muli %while3A_70, %mul3A_78 : i32
      %add3A_80 = arith.constant 1 : i32
      %add3A_81 = arith.addi %mul3A_79, %add3A_80 : i32
      %lt3A_82 = arith.cmpi slt, %add3A_81, %scan3A_29#0 : i32
      %convert_element_type3A_83 = arith.extui %lt3A_82 : i1 to i32
      %cond3A_84 = arith.constant 0 : i32
      %cond3A_85 = arith.cmpi ne, %convert_element_type3A_83, %cond3A_84 : i32
      scf.if %cond3A_85 {
        %dma_wait3A = arith.constant 0 : i32
        %dma_wait3A_94 = arith.constant 0 : i32
        %dma_wait3A_95 = tpu.memref_slice %arg3[%dma_wait3A, %dma_wait3A_94] : memref<64x1000000xf32, #tpu.memory_space<hbm>> -> memref<64x256xf32, #tpu.memory_space<hbm>>
        %dma_wait3A_96 = arith.constant 0 : i32
        %dma_wait3A_97 = arith.constant 0 : i32
        %dma_wait3A_98 = tpu.memref_slice %arg3[%dma_wait3A_96, %dma_wait3A_97] : memref<64x1000000xf32, #tpu.memory_space<hbm>> -> memref<64x256xf32, #tpu.memory_space<hbm>>
        tpu.wait_dma2 semaphore(%arg15 : memref<!tpu.dma_semaphore, #tpu.memory_space<semaphore_mem>>) src(%dma_wait3A_98 : memref<64x256xf32, #tpu.memory_space<hbm>>) dst(%arg11 : memref<64x256xf32, #tpu.memory_space<vmem>>)
        %add3A_99 = arith.constant 2 : i32
        %add3A_100 = arith.addi %add3A_81, %add3A_99 : i32
        %lt3A_101 = arith.cmpi slt, %add3A_100, %scan3A_29#0 : i32
        %convert_element_type3A_102 = arith.extui %lt3A_101 : i1 to i32
        %cond3A_103 = arith.constant 0 : i32
        %cond3A_104 = arith.cmpi ne, %convert_element_type3A_102, %cond3A_103 : i32
        scf.if %cond3A_104 {
          %add3A_133 = arith.constant 2 : i32
          %add3A_134 = arith.addi %add3A_81, %add3A_133 : i32
          %get3A_135 = arith.index_cast %add3A_134 : i32 to index
          %get3A_136 = tpu.vector_load %arg7[%get3A_135] {strides = array<i32>} : memref<528xi32, #tpu.memory_space<vmem>>, vector<16xi32>,
          %slice3A_137 = vector.extract_strided_slice %get3A_136 {offsets = [0], sizes = [1], strides = [1]} : vector<16xi32> to vector<1xi32>
          %squeeze3A_138 = vector.extract %slice3A_137[0] : i32 from vector<1xi32>
          %mul3A_139 = arith.constant 128 : i32
          %mul3A_140 = arith.muli %squeeze3A_138, %mul3A_139 : i32
          %multiple_of3A_141 = tpu.assume_multiple %mul3A_140, 128 : i32
          %dma_start3A_142 = arith.constant 0 : i32
          %dma_start3A_143 = tpu.memref_slice %arg3[%dma_start3A_142, %multiple_of3A_141] : memref<64x1000000xf32, #tpu.memory_space<hbm>> -> memref<64x256xf32, #tpu.memory_space<hbm>>
          %dma_start3A_144 = arith.constant 0 : i32
          %dma_start3A_145 = tpu.memref_slice %arg3[%dma_start3A_144, %multiple_of3A_141] : memref<64x1000000xf32, #tpu.memory_space<hbm>> -> memref<64x256xf32, #tpu.memory_space<hbm>>
          tpu.enqueue_dma source(%dma_start3A_145 : memref<64x256xf32, #tpu.memory_space<hbm>>) target(%arg10 : memref<64x256xf32, #tpu.memory_space<vmem>>) target_semaphore(%arg14 : memref<!tpu.dma_semaphore, #tpu.memory_space<semaphore_mem>>)
        } else {
        }
        %get3A_105 = arith.index_cast %add3A_81 : i32 to index
        %get3A_106 = tpu.vector_load %arg7[%get3A_105] {strides = array<i32>} : memref<528xi32, #tpu.memory_space<vmem>>, vector<16xi32>,
        %slice3A_107 = vector.extract_strided_slice %get3A_106 {offsets = [0], sizes = [1], strides = [1]} : vector<16xi32> to vector<1xi32>
        %squeeze3A_108 = vector.extract %slice3A_107[0] : i32 from vector<1xi32>
        %mul3A_109 = arith.constant 128 : i32
        %mul3A_110 = arith.muli %squeeze3A_108, %mul3A_109 : i32
        %multiple_of3A_111 = tpu.assume_multiple %mul3A_110, 128 : i32
        %get3A_112 = arith.index_cast %add3A_81 : i32 to index
        %get3A_113 = tpu.vector_load %arg8[%get3A_112] {strides = array<i32>} : memref<528xi32, #tpu.memory_space<vmem>>, vector<16xi32>,
        %slice3A_114 = vector.extract_strided_slice %get3A_113 {offsets = [0], sizes = [1], strides = [1]} : vector<16xi32> to vector<1xi32>
        %squeeze3A_115 = vector.extract %slice3A_114[0] : i32 from vector<1xi32>
        %add3A_116 = arith.constant 1 : i32
        %add3A_117 = arith.addi %add3A_81, %add3A_116 : i32
        %get3A_118 = arith.index_cast %add3A_117 : i32 to index
        %get3A_119 = tpu.vector_load %arg8[%get3A_118] {strides = array<i32>} : memref<528xi32, #tpu.memory_space<vmem>>, vector<16xi32>,
        %slice3A_120 = vector.extract_strided_slice %get3A_119 {offsets = [0], sizes = [1], strides = [1]} : vector<16xi32> to vector<1xi32>
        %squeeze3A_121 = vector.extract %slice3A_120[0] : i32 from vector<1xi32>
        %mul3A_122 = arith.constant 128 : i32
        %mul3A_123 = arith.muli %squeeze3A_108, %mul3A_122 : i32
        %while3A_124 = arith.constant 0 : i32
        %while3A_125 = arith.subi %squeeze3A_121, %squeeze3A_115 : i32
        %while3A_126 = arith.addi %squeeze3A_115, %while3A_125 : i32
        %while3A_127 = arith.constant 1 : i32
        %while3A_128 = arith.divsi %while3A_125, %while3A_127 : i32
        %while3A_129 = arith.muli %while3A_128, %while3A_127 : i32
        %while3A_130 = arith.addi %squeeze3A_115, %while3A_129 : i32
        %while3A_131 = arith.constant 1 : i32
        scf.for %while3A_133 = %squeeze3A_115 to %while3A_130 step %while3A_131  : i32 {
          %get3A_134 = arith.index_cast %while3A_133 : i32 to index
          %get3A_135 = tpu.vector_load %arg6[%get3A_134] {strides = array<i32>} : memref<528xi32, #tpu.memory_space<vmem>>, vector<16xi32>,
          %slice3A_136 = vector.extract_strided_slice %get3A_135 {offsets = [0], sizes = [1], strides = [1]} : vector<16xi32> to vector<1xi32>
          %squeeze3A_137 = vector.extract %slice3A_136[0] : i32 from vector<1xi32>
          %sub3A_138 = arith.subi %squeeze3A_137, %mul3A_123 : i32
          %jit3A_139 = arith.constant 0 : i32
          %jit3A_140 = arith.constant 255 : i32
          %max3A = arith.maxsi %jit3A_139, %sub3A_138 : i32
          %min3A_141 = arith.minsi %jit3A_140, %max3A : i32
          %add3A_142 = vector.broadcast %min3A_141 : i32 to vector<16xi32>
          %add3A_143 = arith.addi %broadcast_in_dim3A_3, %add3A_142 : vector<16xi32>
          %sub3A_144 = arith.constant 999936 : i32
          %sub3A_145 = arith.subi %squeeze3A_137, %sub3A_144 : i32
          %jit3A_146 = arith.constant 0 : i32
          %jit3A_147 = arith.constant 63 : i32
          %max3A_148 = arith.maxsi %jit3A_146, %sub3A_145 : i32
          %min3A_149 = arith.minsi %jit3A_147, %max3A_148 : i32
          %add3A_150 = vector.broadcast %min3A_149 : i32 to vector<16xi32>
          %add3A_151 = arith.addi %broadcast_in_dim3A_3, %add3A_150 : vector<16xi32>
          %ge3A = arith.constant 999936 : i32
          %ge3A_152 = arith.cmpi sge, %squeeze3A_137, %ge3A : i32
          %broadcast_in_dim3A_153 = vector.broadcast %ge3A_152 : i1 to vector<16xi1>
          %add3A_154 = arith.constant 0 : i32
          %add3A_155 = vector.broadcast %add3A_154 : i32 to vector<16xi32>
          %add3A_156 = arith.addi %iota3A, %add3A_155 : vector<16xi32>
          %gather3A = tpu.vector_load_idx %arg11[%add3A_156, %add3A_143] : memref<64x256xf32, #tpu.memory_space<vmem>>[vector<16xi32>, vector<16xi32>], vector<16xf32>,
          %add3A_157 = arith.constant 0 : i32
          %add3A_158 = vector.broadcast %add3A_157 : i32 to vector<16xi32>
          %add3A_159 = arith.addi %iota3A, %add3A_158 : vector<16xi32>
          %gather3A_160 = tpu.vector_load_idx %arg9[%add3A_159, %add3A_151] : memref<64x64xf32, #tpu.memory_space<vmem>>[vector<16xi32>, vector<16xi32>], vector<16xf32>,
          %select_n3A_161 = arith.select %broadcast_in_dim3A_153, %gather3A_160, %gather3A : vector<16xi1>, vector<16xf32>
          %swap3A = arith.index_cast %while3A_133 : i32 to index
          %swap3A_162 = arith.constant 0 : index
          %swap3A_163 = tpu.vector_load %arg13[%swap3A, %swap3A_162] {strides = array<i32>} : memref<512x64xf32, #tpu.memory_space<vmem>>, vector<16xf32>,
          tpu.vector_store %arg13[%swap3A, %swap3A_162], %select_n3A_161 {strides = array<i32>} : memref<512x64xf32, #tpu.memory_space<vmem>>, vector<16xf32>,
          %add3A_164 = arith.constant 16 : i32
          %add3A_165 = vector.broadcast %add3A_164 : i32 to vector<16xi32>
          %add3A_166 = arith.addi %iota3A, %add3A_165 : vector<16xi32>
          %gather3A_167 = tpu.vector_load_idx %arg11[%add3A_166, %add3A_143] : memref<64x256xf32, #tpu.memory_space<vmem>>[vector<16xi32>, vector<16xi32>], vector<16xf32>,
          %add3A_168 = arith.constant 16 : i32
          %add3A_169 = vector.broadcast %add3A_168 : i32 to vector<16xi32>
          %add3A_170 = arith.addi %iota3A, %add3A_169 : vector<16xi32>
          %gather3A_171 = tpu.vector_load_idx %arg9[%add3A_170, %add3A_151] : memref<64x64xf32, #tpu.memory_space<vmem>>[vector<16xi32>, vector<16xi32>], vector<16xf32>,
          %select_n3A_172 = arith.select %broadcast_in_dim3A_153, %gather3A_171, %gather3A_167 : vector<16xi1>, vector<16xf32>
          %swap3A_173 = arith.index_cast %while3A_133 : i32 to index
          %swap3A_174 = arith.constant 16 : index
          %swap3A_175 = tpu.vector_load %arg13[%swap3A_173, %swap3A_174] {strides = array<i32>} : memref<512x64xf32, #tpu.memory_space<vmem>>, vector<16xf32>,
          tpu.vector_store %arg13[%swap3A_173, %swap3A_174], %select_n3A_172 {strides = array<i32>} : memref<512x64xf32, #tpu.memory_space<vmem>>, vector<16xf32>,
          %add3A_176 = arith.constant 32 : i32
          %add3A_177 = vector.broadcast %add3A_176 : i32 to vector<16xi32>
          %add3A_178 = arith.addi %iota3A, %add3A_177 : vector<16xi32>
          %gather3A_179 = tpu.vector_load_idx %arg11[%add3A_178, %add3A_143] : memref<64x256xf32, #tpu.memory_space<vmem>>[vector<16xi32>, vector<16xi32>], vector<16xf32>,
          %add3A_180 = arith.constant 32 : i32
          %add3A_181 = vector.broadcast %add3A_180 : i32 to vector<16xi32>
          %add3A_182 = arith.addi %iota3A, %add3A_181 : vector<16xi32>
          %gather3A_183 = tpu.vector_load_idx %arg9[%add3A_182, %add3A_151] : memref<64x64xf32, #tpu.memory_space<vmem>>[vector<16xi32>, vector<16xi32>], vector<16xf32>,
          %select_n3A_184 = arith.select %broadcast_in_dim3A_153, %gather3A_183, %gather3A_179 : vector<16xi1>, vector<16xf32>
          %swap3A_185 = arith.index_cast %while3A_133 : i32 to index
          %swap3A_186 = arith.constant 32 : index
          %swap3A_187 = tpu.vector_load %arg13[%swap3A_185, %swap3A_186] {strides = array<i32>} : memref<512x64xf32, #tpu.memory_space<vmem>>, vector<16xf32>,
          tpu.vector_store %arg13[%swap3A_185, %swap3A_186], %select_n3A_184 {strides = array<i32>} : memref<512x64xf32, #tpu.memory_space<vmem>>, vector<16xf32>,
          %add3A_188 = arith.constant 48 : i32
          %add3A_189 = vector.broadcast %add3A_188 : i32 to vector<16xi32>
          %add3A_190 = arith.addi %iota3A, %add3A_189 : vector<16xi32>
          %gather3A_191 = tpu.vector_load_idx %arg11[%add3A_190, %add3A_143] : memref<64x256xf32, #tpu.memory_space<vmem>>[vector<16xi32>, vector<16xi32>], vector<16xf32>,
          %add3A_192 = arith.constant 48 : i32
          %add3A_193 = vector.broadcast %add3A_192 : i32 to vector<16xi32>
          %add3A_194 = arith.addi %iota3A, %add3A_193 : vector<16xi32>
          %gather3A_195 = tpu.vector_load_idx %arg9[%add3A_194, %add3A_151] : memref<64x64xf32, #tpu.memory_space<vmem>>[vector<16xi32>, vector<16xi32>], vector<16xf32>,
          %select_n3A_196 = arith.select %broadcast_in_dim3A_153, %gather3A_195, %gather3A_191 : vector<16xi1>, vector<16xf32>
          %swap3A_197 = arith.index_cast %while3A_133 : i32 to index
          %swap3A_198 = arith.constant 48 : index
          %swap3A_199 = tpu.vector_load %arg13[%swap3A_197, %swap3A_198] {strides = array<i32>} : memref<512x64xf32, #tpu.memory_space<vmem>>, vector<16xf32>,
          tpu.vector_store %arg13[%swap3A_197, %swap3A_198], %select_n3A_196 {strides = array<i32>} : memref<512x64xf32, #tpu.memory_space<vmem>>, vector<16xf32>,
        }
        %while3A_132 = arith.constant 1 : i32
        scf.for %while3A_133 = %while3A_130 to %while3A_126 step %while3A_132  : i32 {
          %get3A_134 = arith.index_cast %while3A_133 : i32 to index
          %get3A_135 = tpu.vector_load %arg6[%get3A_134] {strides = array<i32>} : memref<528xi32, #tpu.memory_space<vmem>>, vector<16xi32>,
          %slice3A_136 = vector.extract_strided_slice %get3A_135 {offsets = [0], sizes = [1], strides = [1]} : vector<16xi32> to vector<1xi32>
          %squeeze3A_137 = vector.extract %slice3A_136[0] : i32 from vector<1xi32>
          %sub3A_138 = arith.subi %squeeze3A_137, %mul3A_123 : i32
          %jit3A_139 = arith.constant 0 : i32
          %jit3A_140 = arith.constant 255 : i32
          %max3A = arith.maxsi %jit3A_139, %sub3A_138 : i32
          %min3A_141 = arith.minsi %jit3A_140, %max3A : i32
          %add3A_142 = vector.broadcast %min3A_141 : i32 to vector<16xi32>
          %add3A_143 = arith.addi %broadcast_in_dim3A_3, %add3A_142 : vector<16xi32>
          %sub3A_144 = arith.constant 999936 : i32
          %sub3A_145 = arith.subi %squeeze3A_137, %sub3A_144 : i32
          %jit3A_146 = arith.constant 0 : i32
          %jit3A_147 = arith.constant 63 : i32
          %max3A_148 = arith.maxsi %jit3A_146, %sub3A_145 : i32
          %min3A_149 = arith.minsi %jit3A_147, %max3A_148 : i32
          %add3A_150 = vector.broadcast %min3A_149 : i32 to vector<16xi32>
          %add3A_151 = arith.addi %broadcast_in_dim3A_3, %add3A_150 : vector<16xi32>
          %ge3A = arith.constant 999936 : i32
          %ge3A_152 = arith.cmpi sge, %squeeze3A_137, %ge3A : i32
          %broadcast_in_dim3A_153 = vector.broadcast %ge3A_152 : i1 to vector<16xi1>
          %add3A_154 = arith.constant 0 : i32
          %add3A_155 = vector.broadcast %add3A_154 : i32 to vector<16xi32>
          %add3A_156 = arith.addi %iota3A, %add3A_155 : vector<16xi32>
          %gather3A = tpu.vector_load_idx %arg11[%add3A_156, %add3A_143] : memref<64x256xf32, #tpu.memory_space<vmem>>[vector<16xi32>, vector<16xi32>], vector<16xf32>,
          %add3A_157 = arith.constant 0 : i32
          %add3A_158 = vector.broadcast %add3A_157 : i32 to vector<16xi32>
          %add3A_159 = arith.addi %iota3A, %add3A_158 : vector<16xi32>
          %gather3A_160 = tpu.vector_load_idx %arg9[%add3A_159, %add3A_151] : memref<64x64xf32, #tpu.memory_space<vmem>>[vector<16xi32>, vector<16xi32>], vector<16xf32>,
          %select_n3A_161 = arith.select %broadcast_in_dim3A_153, %gather3A_160, %gather3A : vector<16xi1>, vector<16xf32>
          %swap3A = arith.index_cast %while3A_133 : i32 to index
          %swap3A_162 = arith.constant 0 : index
          %swap3A_163 = tpu.vector_load %arg13[%swap3A, %swap3A_162] {strides = array<i32>} : memref<512x64xf32, #tpu.memory_space<vmem>>, vector<16xf32>,
          tpu.vector_store %arg13[%swap3A, %swap3A_162], %select_n3A_161 {strides = array<i32>} : memref<512x64xf32, #tpu.memory_space<vmem>>, vector<16xf32>,
          %add3A_164 = arith.constant 16 : i32
          %add3A_165 = vector.broadcast %add3A_164 : i32 to vector<16xi32>
          %add3A_166 = arith.addi %iota3A, %add3A_165 : vector<16xi32>
          %gather3A_167 = tpu.vector_load_idx %arg11[%add3A_166, %add3A_143] : memref<64x256xf32, #tpu.memory_space<vmem>>[vector<16xi32>, vector<16xi32>], vector<16xf32>,
          %add3A_168 = arith.constant 16 : i32
          %add3A_169 = vector.broadcast %add3A_168 : i32 to vector<16xi32>
          %add3A_170 = arith.addi %iota3A, %add3A_169 : vector<16xi32>
          %gather3A_171 = tpu.vector_load_idx %arg9[%add3A_170, %add3A_151] : memref<64x64xf32, #tpu.memory_space<vmem>>[vector<16xi32>, vector<16xi32>], vector<16xf32>,
          %select_n3A_172 = arith.select %broadcast_in_dim3A_153, %gather3A_171, %gather3A_167 : vector<16xi1>, vector<16xf32>
          %swap3A_173 = arith.index_cast %while3A_133 : i32 to index
          %swap3A_174 = arith.constant 16 : index
          %swap3A_175 = tpu.vector_load %arg13[%swap3A_173, %swap3A_174] {strides = array<i32>} : memref<512x64xf32, #tpu.memory_space<vmem>>, vector<16xf32>,
          tpu.vector_store %arg13[%swap3A_173, %swap3A_174], %select_n3A_172 {strides = array<i32>} : memref<512x64xf32, #tpu.memory_space<vmem>>, vector<16xf32>,
          %add3A_176 = arith.constant 32 : i32
          %add3A_177 = vector.broadcast %add3A_176 : i32 to vector<16xi32>
          %add3A_178 = arith.addi %iota3A, %add3A_177 : vector<16xi32>
          %gather3A_179 = tpu.vector_load_idx %arg11[%add3A_178, %add3A_143] : memref<64x256xf32, #tpu.memory_space<vmem>>[vector<16xi32>, vector<16xi32>], vector<16xf32>,
          %add3A_180 = arith.constant 32 : i32
          %add3A_181 = vector.broadcast %add3A_180 : i32 to vector<16xi32>
          %add3A_182 = arith.addi %iota3A, %add3A_181 : vector<16xi32>
          %gather3A_183 = tpu.vector_load_idx %arg9[%add3A_182, %add3A_151] : memref<64x64xf32, #tpu.memory_space<vmem>>[vector<16xi32>, vector<16xi32>], vector<16xf32>,
          %select_n3A_184 = arith.select %broadcast_in_dim3A_153, %gather3A_183, %gather3A_179 : vector<16xi1>, vector<16xf32>
          %swap3A_185 = arith.index_cast %while3A_133 : i32 to index
          %swap3A_186 = arith.constant 32 : index
          %swap3A_187 = tpu.vector_load %arg13[%swap3A_185, %swap3A_186] {strides = array<i32>} : memref<512x64xf32, #tpu.memory_space<vmem>>, vector<16xf32>,
          tpu.vector_store %arg13[%swap3A_185, %swap3A_186], %select_n3A_184 {strides = array<i32>} : memref<512x64xf32, #tpu.memory_space<vmem>>, vector<16xf32>,
          %add3A_188 = arith.constant 48 : i32
          %add3A_189 = vector.broadcast %add3A_188 : i32 to vector<16xi32>
          %add3A_190 = arith.addi %iota3A, %add3A_189 : vector<16xi32>
          %gather3A_191 = tpu.vector_load_idx %arg11[%add3A_190, %add3A_143] : memref<64x256xf32, #tpu.memory_space<vmem>>[vector<16xi32>, vector<16xi32>], vector<16xf32>,
          %add3A_192 = arith.constant 48 : i32
          %add3A_193 = vector.broadcast %add3A_192 : i32 to vector<16xi32>
          %add3A_194 = arith.addi %iota3A, %add3A_193 : vector<16xi32>
          %gather3A_195 = tpu.vector_load_idx %arg9[%add3A_194, %add3A_151] : memref<64x64xf32, #tpu.memory_space<vmem>>[vector<16xi32>, vector<16xi32>], vector<16xf32>,
          %select_n3A_196 = arith.select %broadcast_in_dim3A_153, %gather3A_195, %gather3A_191 : vector<16xi1>, vector<16xf32>
          %swap3A_197 = arith.index_cast %while3A_133 : i32 to index
          %swap3A_198 = arith.constant 48 : index
          %swap3A_199 = tpu.vector_load %arg13[%swap3A_197, %swap3A_198] {strides = array<i32>} : memref<512x64xf32, #tpu.memory_space<vmem>>, vector<16xf32>,
          tpu.vector_store %arg13[%swap3A_197, %swap3A_198], %select_n3A_196 {strides = array<i32>} : memref<512x64xf32, #tpu.memory_space<vmem>>, vector<16xf32>,
        }
      } else {
      }
      %mul3A_86 = arith.constant 3 : i32
      %mul3A_87 = arith.muli %while3A_70, %mul3A_86 : i32
      %add3A_88 = arith.constant 2 : i32
      %add3A_89 = arith.addi %mul3A_87, %add3A_88 : i32
      %lt3A_90 = arith.cmpi slt, %add3A_89, %scan3A_29#0 : i32
      %convert_element_type3A_91 = arith.extui %lt3A_90 : i1 to i32
      %cond3A_92 = arith.constant 0 : i32
      %cond3A_93 = arith.cmpi ne, %convert_element_type3A_91, %cond3A_92 : i32
      scf.if %cond3A_93 {
        %dma_wait3A = arith.constant 0 : i32
        %dma_wait3A_94 = arith.constant 0 : i32
        %dma_wait3A_95 = tpu.memref_slice %arg3[%dma_wait3A, %dma_wait3A_94] : memref<64x1000000xf32, #tpu.memory_space<hbm>> -> memref<64x256xf32, #tpu.memory_space<hbm>>
        %dma_wait3A_96 = arith.constant 0 : i32
        %dma_wait3A_97 = arith.constant 0 : i32
        %dma_wait3A_98 = tpu.memref_slice %arg3[%dma_wait3A_96, %dma_wait3A_97] : memref<64x1000000xf32, #tpu.memory_space<hbm>> -> memref<64x256xf32, #tpu.memory_space<hbm>>
        tpu.wait_dma2 semaphore(%arg16 : memref<!tpu.dma_semaphore, #tpu.memory_space<semaphore_mem>>) src(%dma_wait3A_98 : memref<64x256xf32, #tpu.memory_space<hbm>>) dst(%arg12 : memref<64x256xf32, #tpu.memory_space<vmem>>)
        %add3A_99 = arith.constant 2 : i32
        %add3A_100 = arith.addi %add3A_89, %add3A_99 : i32
        %lt3A_101 = arith.cmpi slt, %add3A_100, %scan3A_29#0 : i32
        %convert_element_type3A_102 = arith.extui %lt3A_101 : i1 to i32
        %cond3A_103 = arith.constant 0 : i32
        %cond3A_104 = arith.cmpi ne, %convert_element_type3A_102, %cond3A_103 : i32
        scf.if %cond3A_104 {
          %add3A_133 = arith.constant 2 : i32
          %add3A_134 = arith.addi %add3A_89, %add3A_133 : i32
          %get3A_135 = arith.index_cast %add3A_134 : i32 to index
          %get3A_136 = tpu.vector_load %arg7[%get3A_135] {strides = array<i32>} : memref<528xi32, #tpu.memory_space<vmem>>, vector<16xi32>,
          %slice3A_137 = vector.extract_strided_slice %get3A_136 {offsets = [0], sizes = [1], strides = [1]} : vector<16xi32> to vector<1xi32>
          %squeeze3A_138 = vector.extract %slice3A_137[0] : i32 from vector<1xi32>
          %mul3A_139 = arith.constant 128 : i32
          %mul3A_140 = arith.muli %squeeze3A_138, %mul3A_139 : i32
          %multiple_of3A_141 = tpu.assume_multiple %mul3A_140, 128 : i32
          %dma_start3A_142 = arith.constant 0 : i32
          %dma_start3A_143 = tpu.memref_slice %arg3[%dma_start3A_142, %multiple_of3A_141] : memref<64x1000000xf32, #tpu.memory_space<hbm>> -> memref<64x256xf32, #tpu.memory_space<hbm>>
          %dma_start3A_144 = arith.constant 0 : i32
          %dma_start3A_145 = tpu.memref_slice %arg3[%dma_start3A_144, %multiple_of3A_141] : memref<64x1000000xf32, #tpu.memory_space<hbm>> -> memref<64x256xf32, #tpu.memory_space<hbm>>
          tpu.enqueue_dma source(%dma_start3A_145 : memref<64x256xf32, #tpu.memory_space<hbm>>) target(%arg11 : memref<64x256xf32, #tpu.memory_space<vmem>>) target_semaphore(%arg15 : memref<!tpu.dma_semaphore, #tpu.memory_space<semaphore_mem>>)
        } else {
        }
        %get3A_105 = arith.index_cast %add3A_89 : i32 to index
        %get3A_106 = tpu.vector_load %arg7[%get3A_105] {strides = array<i32>} : memref<528xi32, #tpu.memory_space<vmem>>, vector<16xi32>,
        %slice3A_107 = vector.extract_strided_slice %get3A_106 {offsets = [0], sizes = [1], strides = [1]} : vector<16xi32> to vector<1xi32>
        %squeeze3A_108 = vector.extract %slice3A_107[0] : i32 from vector<1xi32>
        %mul3A_109 = arith.constant 128 : i32
        %mul3A_110 = arith.muli %squeeze3A_108, %mul3A_109 : i32
        %multiple_of3A_111 = tpu.assume_multiple %mul3A_110, 128 : i32
        %get3A_112 = arith.index_cast %add3A_89 : i32 to index
        %get3A_113 = tpu.vector_load %arg8[%get3A_112] {strides = array<i32>} : memref<528xi32, #tpu.memory_space<vmem>>, vector<16xi32>,
        %slice3A_114 = vector.extract_strided_slice %get3A_113 {offsets = [0], sizes = [1], strides = [1]} : vector<16xi32> to vector<1xi32>
        %squeeze3A_115 = vector.extract %slice3A_114[0] : i32 from vector<1xi32>
        %add3A_116 = arith.constant 1 : i32
        %add3A_117 = arith.addi %add3A_89, %add3A_116 : i32
        %get3A_118 = arith.index_cast %add3A_117 : i32 to index
        %get3A_119 = tpu.vector_load %arg8[%get3A_118] {strides = array<i32>} : memref<528xi32, #tpu.memory_space<vmem>>, vector<16xi32>,
        %slice3A_120 = vector.extract_strided_slice %get3A_119 {offsets = [0], sizes = [1], strides = [1]} : vector<16xi32> to vector<1xi32>
        %squeeze3A_121 = vector.extract %slice3A_120[0] : i32 from vector<1xi32>
        %mul3A_122 = arith.constant 128 : i32
        %mul3A_123 = arith.muli %squeeze3A_108, %mul3A_122 : i32
        %while3A_124 = arith.constant 0 : i32
        %while3A_125 = arith.subi %squeeze3A_121, %squeeze3A_115 : i32
        %while3A_126 = arith.addi %squeeze3A_115, %while3A_125 : i32
        %while3A_127 = arith.constant 1 : i32
        %while3A_128 = arith.divsi %while3A_125, %while3A_127 : i32
        %while3A_129 = arith.muli %while3A_128, %while3A_127 : i32
        %while3A_130 = arith.addi %squeeze3A_115, %while3A_129 : i32
        %while3A_131 = arith.constant 1 : i32
        scf.for %while3A_133 = %squeeze3A_115 to %while3A_130 step %while3A_131  : i32 {
          %get3A_134 = arith.index_cast %while3A_133 : i32 to index
          %get3A_135 = tpu.vector_load %arg6[%get3A_134] {strides = array<i32>} : memref<528xi32, #tpu.memory_space<vmem>>, vector<16xi32>,
          %slice3A_136 = vector.extract_strided_slice %get3A_135 {offsets = [0], sizes = [1], strides = [1]} : vector<16xi32> to vector<1xi32>
          %squeeze3A_137 = vector.extract %slice3A_136[0] : i32 from vector<1xi32>
          %sub3A_138 = arith.subi %squeeze3A_137, %mul3A_123 : i32
          %jit3A_139 = arith.constant 0 : i32
          %jit3A_140 = arith.constant 255 : i32
          %max3A = arith.maxsi %jit3A_139, %sub3A_138 : i32
          %min3A_141 = arith.minsi %jit3A_140, %max3A : i32
          %add3A_142 = vector.broadcast %min3A_141 : i32 to vector<16xi32>
          %add3A_143 = arith.addi %broadcast_in_dim3A_3, %add3A_142 : vector<16xi32>
          %sub3A_144 = arith.constant 999936 : i32
          %sub3A_145 = arith.subi %squeeze3A_137, %sub3A_144 : i32
          %jit3A_146 = arith.constant 0 : i32
          %jit3A_147 = arith.constant 63 : i32
          %max3A_148 = arith.maxsi %jit3A_146, %sub3A_145 : i32
          %min3A_149 = arith.minsi %jit3A_147, %max3A_148 : i32
          %add3A_150 = vector.broadcast %min3A_149 : i32 to vector<16xi32>
          %add3A_151 = arith.addi %broadcast_in_dim3A_3, %add3A_150 : vector<16xi32>
          %ge3A = arith.constant 999936 : i32
          %ge3A_152 = arith.cmpi sge, %squeeze3A_137, %ge3A : i32
          %broadcast_in_dim3A_153 = vector.broadcast %ge3A_152 : i1 to vector<16xi1>
          %add3A_154 = arith.constant 0 : i32
          %add3A_155 = vector.broadcast %add3A_154 : i32 to vector<16xi32>
          %add3A_156 = arith.addi %iota3A, %add3A_155 : vector<16xi32>
          %gather3A = tpu.vector_load_idx %arg12[%add3A_156, %add3A_143] : memref<64x256xf32, #tpu.memory_space<vmem>>[vector<16xi32>, vector<16xi32>], vector<16xf32>,
          %add3A_157 = arith.constant 0 : i32
          %add3A_158 = vector.broadcast %add3A_157 : i32 to vector<16xi32>
          %add3A_159 = arith.addi %iota3A, %add3A_158 : vector<16xi32>
          %gather3A_160 = tpu.vector_load_idx %arg9[%add3A_159, %add3A_151] : memref<64x64xf32, #tpu.memory_space<vmem>>[vector<16xi32>, vector<16xi32>], vector<16xf32>,
          %select_n3A_161 = arith.select %broadcast_in_dim3A_153, %gather3A_160, %gather3A : vector<16xi1>, vector<16xf32>
          %swap3A = arith.index_cast %while3A_133 : i32 to index
          %swap3A_162 = arith.constant 0 : index
          %swap3A_163 = tpu.vector_load %arg13[%swap3A, %swap3A_162] {strides = array<i32>} : memref<512x64xf32, #tpu.memory_space<vmem>>, vector<16xf32>,
          tpu.vector_store %arg13[%swap3A, %swap3A_162], %select_n3A_161 {strides = array<i32>} : memref<512x64xf32, #tpu.memory_space<vmem>>, vector<16xf32>,
          %add3A_164 = arith.constant 16 : i32
          %add3A_165 = vector.broadcast %add3A_164 : i32 to vector<16xi32>
          %add3A_166 = arith.addi %iota3A, %add3A_165 : vector<16xi32>
          %gather3A_167 = tpu.vector_load_idx %arg12[%add3A_166, %add3A_143] : memref<64x256xf32, #tpu.memory_space<vmem>>[vector<16xi32>, vector<16xi32>], vector<16xf32>,
          %add3A_168 = arith.constant 16 : i32
          %add3A_169 = vector.broadcast %add3A_168 : i32 to vector<16xi32>
          %add3A_170 = arith.addi %iota3A, %add3A_169 : vector<16xi32>
          %gather3A_171 = tpu.vector_load_idx %arg9[%add3A_170, %add3A_151] : memref<64x64xf32, #tpu.memory_space<vmem>>[vector<16xi32>, vector<16xi32>], vector<16xf32>,
          %select_n3A_172 = arith.select %broadcast_in_dim3A_153, %gather3A_171, %gather3A_167 : vector<16xi1>, vector<16xf32>
          %swap3A_173 = arith.index_cast %while3A_133 : i32 to index
          %swap3A_174 = arith.constant 16 : index
          %swap3A_175 = tpu.vector_load %arg13[%swap3A_173, %swap3A_174] {strides = array<i32>} : memref<512x64xf32, #tpu.memory_space<vmem>>, vector<16xf32>,
          tpu.vector_store %arg13[%swap3A_173, %swap3A_174], %select_n3A_172 {strides = array<i32>} : memref<512x64xf32, #tpu.memory_space<vmem>>, vector<16xf32>,
          %add3A_176 = arith.constant 32 : i32
          %add3A_177 = vector.broadcast %add3A_176 : i32 to vector<16xi32>
          %add3A_178 = arith.addi %iota3A, %add3A_177 : vector<16xi32>
          %gather3A_179 = tpu.vector_load_idx %arg12[%add3A_178, %add3A_143] : memref<64x256xf32, #tpu.memory_space<vmem>>[vector<16xi32>, vector<16xi32>], vector<16xf32>,
          %add3A_180 = arith.constant 32 : i32
          %add3A_181 = vector.broadcast %add3A_180 : i32 to vector<16xi32>
          %add3A_182 = arith.addi %iota3A, %add3A_181 : vector<16xi32>
          %gather3A_183 = tpu.vector_load_idx %arg9[%add3A_182, %add3A_151] : memref<64x64xf32, #tpu.memory_space<vmem>>[vector<16xi32>, vector<16xi32>], vector<16xf32>,
          %select_n3A_184 = arith.select %broadcast_in_dim3A_153, %gather3A_183, %gather3A_179 : vector<16xi1>, vector<16xf32>
          %swap3A_185 = arith.index_cast %while3A_133 : i32 to index
          %swap3A_186 = arith.constant 32 : index
          %swap3A_187 = tpu.vector_load %arg13[%swap3A_185, %swap3A_186] {strides = array<i32>} : memref<512x64xf32, #tpu.memory_space<vmem>>, vector<16xf32>,
          tpu.vector_store %arg13[%swap3A_185, %swap3A_186], %select_n3A_184 {strides = array<i32>} : memref<512x64xf32, #tpu.memory_space<vmem>>, vector<16xf32>,
          %add3A_188 = arith.constant 48 : i32
          %add3A_189 = vector.broadcast %add3A_188 : i32 to vector<16xi32>
          %add3A_190 = arith.addi %iota3A, %add3A_189 : vector<16xi32>
          %gather3A_191 = tpu.vector_load_idx %arg12[%add3A_190, %add3A_143] : memref<64x256xf32, #tpu.memory_space<vmem>>[vector<16xi32>, vector<16xi32>], vector<16xf32>,
          %add3A_192 = arith.constant 48 : i32
          %add3A_193 = vector.broadcast %add3A_192 : i32 to vector<16xi32>
          %add3A_194 = arith.addi %iota3A, %add3A_193 : vector<16xi32>
          %gather3A_195 = tpu.vector_load_idx %arg9[%add3A_194, %add3A_151] : memref<64x64xf32, #tpu.memory_space<vmem>>[vector<16xi32>, vector<16xi32>], vector<16xf32>,
          %select_n3A_196 = arith.select %broadcast_in_dim3A_153, %gather3A_195, %gather3A_191 : vector<16xi1>, vector<16xf32>
          %swap3A_197 = arith.index_cast %while3A_133 : i32 to index
          %swap3A_198 = arith.constant 48 : index
          %swap3A_199 = tpu.vector_load %arg13[%swap3A_197, %swap3A_198] {strides = array<i32>} : memref<512x64xf32, #tpu.memory_space<vmem>>, vector<16xf32>,
          tpu.vector_store %arg13[%swap3A_197, %swap3A_198], %select_n3A_196 {strides = array<i32>} : memref<512x64xf32, #tpu.memory_space<vmem>>, vector<16xf32>,
        }
        %while3A_132 = arith.constant 1 : i32
        scf.for %while3A_133 = %while3A_130 to %while3A_126 step %while3A_132  : i32 {
          %get3A_134 = arith.index_cast %while3A_133 : i32 to index
          %get3A_135 = tpu.vector_load %arg6[%get3A_134] {strides = array<i32>} : memref<528xi32, #tpu.memory_space<vmem>>, vector<16xi32>,
          %slice3A_136 = vector.extract_strided_slice %get3A_135 {offsets = [0], sizes = [1], strides = [1]} : vector<16xi32> to vector<1xi32>
          %squeeze3A_137 = vector.extract %slice3A_136[0] : i32 from vector<1xi32>
          %sub3A_138 = arith.subi %squeeze3A_137, %mul3A_123 : i32
          %jit3A_139 = arith.constant 0 : i32
          %jit3A_140 = arith.constant 255 : i32
          %max3A = arith.maxsi %jit3A_139, %sub3A_138 : i32
          %min3A_141 = arith.minsi %jit3A_140, %max3A : i32
          %add3A_142 = vector.broadcast %min3A_141 : i32 to vector<16xi32>
          %add3A_143 = arith.addi %broadcast_in_dim3A_3, %add3A_142 : vector<16xi32>
          %sub3A_144 = arith.constant 999936 : i32
          %sub3A_145 = arith.subi %squeeze3A_137, %sub3A_144 : i32
          %jit3A_146 = arith.constant 0 : i32
          %jit3A_147 = arith.constant 63 : i32
          %max3A_148 = arith.maxsi %jit3A_146, %sub3A_145 : i32
          %min3A_149 = arith.minsi %jit3A_147, %max3A_148 : i32
          %add3A_150 = vector.broadcast %min3A_149 : i32 to vector<16xi32>
          %add3A_151 = arith.addi %broadcast_in_dim3A_3, %add3A_150 : vector<16xi32>
          %ge3A = arith.constant 999936 : i32
          %ge3A_152 = arith.cmpi sge, %squeeze3A_137, %ge3A : i32
          %broadcast_in_dim3A_153 = vector.broadcast %ge3A_152 : i1 to vector<16xi1>
          %add3A_154 = arith.constant 0 : i32
          %add3A_155 = vector.broadcast %add3A_154 : i32 to vector<16xi32>
          %add3A_156 = arith.addi %iota3A, %add3A_155 : vector<16xi32>
          %gather3A = tpu.vector_load_idx %arg12[%add3A_156, %add3A_143] : memref<64x256xf32, #tpu.memory_space<vmem>>[vector<16xi32>, vector<16xi32>], vector<16xf32>,
          %add3A_157 = arith.constant 0 : i32
          %add3A_158 = vector.broadcast %add3A_157 : i32 to vector<16xi32>
          %add3A_159 = arith.addi %iota3A, %add3A_158 : vector<16xi32>
          %gather3A_160 = tpu.vector_load_idx %arg9[%add3A_159, %add3A_151] : memref<64x64xf32, #tpu.memory_space<vmem>>[vector<16xi32>, vector<16xi32>], vector<16xf32>,
          %select_n3A_161 = arith.select %broadcast_in_dim3A_153, %gather3A_160, %gather3A : vector<16xi1>, vector<16xf32>
          %swap3A = arith.index_cast %while3A_133 : i32 to index
          %swap3A_162 = arith.constant 0 : index
          %swap3A_163 = tpu.vector_load %arg13[%swap3A, %swap3A_162] {strides = array<i32>} : memref<512x64xf32, #tpu.memory_space<vmem>>, vector<16xf32>,
          tpu.vector_store %arg13[%swap3A, %swap3A_162], %select_n3A_161 {strides = array<i32>} : memref<512x64xf32, #tpu.memory_space<vmem>>, vector<16xf32>,
          %add3A_164 = arith.constant 16 : i32
          %add3A_165 = vector.broadcast %add3A_164 : i32 to vector<16xi32>
          %add3A_166 = arith.addi %iota3A, %add3A_165 : vector<16xi32>
          %gather3A_167 = tpu.vector_load_idx %arg12[%add3A_166, %add3A_143] : memref<64x256xf32, #tpu.memory_space<vmem>>[vector<16xi32>, vector<16xi32>], vector<16xf32>,
          %add3A_168 = arith.constant 16 : i32
          %add3A_169 = vector.broadcast %add3A_168 : i32 to vector<16xi32>
          %add3A_170 = arith.addi %iota3A, %add3A_169 : vector<16xi32>
          %gather3A_171 = tpu.vector_load_idx %arg9[%add3A_170, %add3A_151] : memref<64x64xf32, #tpu.memory_space<vmem>>[vector<16xi32>, vector<16xi32>], vector<16xf32>,
          %select_n3A_172 = arith.select %broadcast_in_dim3A_153, %gather3A_171, %gather3A_167 : vector<16xi1>, vector<16xf32>
          %swap3A_173 = arith.index_cast %while3A_133 : i32 to index
          %swap3A_174 = arith.constant 16 : index
          %swap3A_175 = tpu.vector_load %arg13[%swap3A_173, %swap3A_174] {strides = array<i32>} : memref<512x64xf32, #tpu.memory_space<vmem>>, vector<16xf32>,
          tpu.vector_store %arg13[%swap3A_173, %swap3A_174], %select_n3A_172 {strides = array<i32>} : memref<512x64xf32, #tpu.memory_space<vmem>>, vector<16xf32>,
          %add3A_176 = arith.constant 32 : i32
          %add3A_177 = vector.broadcast %add3A_176 : i32 to vector<16xi32>
          %add3A_178 = arith.addi %iota3A, %add3A_177 : vector<16xi32>
          %gather3A_179 = tpu.vector_load_idx %arg12[%add3A_178, %add3A_143] : memref<64x256xf32, #tpu.memory_space<vmem>>[vector<16xi32>, vector<16xi32>], vector<16xf32>,
          %add3A_180 = arith.constant 32 : i32
          %add3A_181 = vector.broadcast %add3A_180 : i32 to vector<16xi32>
          %add3A_182 = arith.addi %iota3A, %add3A_181 : vector<16xi32>
          %gather3A_183 = tpu.vector_load_idx %arg9[%add3A_182, %add3A_151] : memref<64x64xf32, #tpu.memory_space<vmem>>[vector<16xi32>, vector<16xi32>], vector<16xf32>,
          %select_n3A_184 = arith.select %broadcast_in_dim3A_153, %gather3A_183, %gather3A_179 : vector<16xi1>, vector<16xf32>
          %swap3A_185 = arith.index_cast %while3A_133 : i32 to index
          %swap3A_186 = arith.constant 32 : index
          %swap3A_187 = tpu.vector_load %arg13[%swap3A_185, %swap3A_186] {strides = array<i32>} : memref<512x64xf32, #tpu.memory_space<vmem>>, vector<16xf32>,
          tpu.vector_store %arg13[%swap3A_185, %swap3A_186], %select_n3A_184 {strides = array<i32>} : memref<512x64xf32, #tpu.memory_space<vmem>>, vector<16xf32>,
          %add3A_188 = arith.constant 48 : i32
          %add3A_189 = vector.broadcast %add3A_188 : i32 to vector<16xi32>
          %add3A_190 = arith.addi %iota3A, %add3A_189 : vector<16xi32>
          %gather3A_191 = tpu.vector_load_idx %arg12[%add3A_190, %add3A_143] : memref<64x256xf32, #tpu.memory_space<vmem>>[vector<16xi32>, vector<16xi32>], vector<16xf32>,
          %add3A_192 = arith.constant 48 : i32
          %add3A_193 = vector.broadcast %add3A_192 : i32 to vector<16xi32>
          %add3A_194 = arith.addi %iota3A, %add3A_193 : vector<16xi32>
          %gather3A_195 = tpu.vector_load_idx %arg9[%add3A_194, %add3A_151] : memref<64x64xf32, #tpu.memory_space<vmem>>[vector<16xi32>, vector<16xi32>], vector<16xf32>,
          %select_n3A_196 = arith.select %broadcast_in_dim3A_153, %gather3A_195, %gather3A_191 : vector<16xi1>, vector<16xf32>
          %swap3A_197 = arith.index_cast %while3A_133 : i32 to index
          %swap3A_198 = arith.constant 48 : index
          %swap3A_199 = tpu.vector_load %arg13[%swap3A_197, %swap3A_198] {strides = array<i32>} : memref<512x64xf32, #tpu.memory_space<vmem>>, vector<16xf32>,
          tpu.vector_store %arg13[%swap3A_197, %swap3A_198], %select_n3A_196 {strides = array<i32>} : memref<512x64xf32, #tpu.memory_space<vmem>>, vector<16xf32>,
        }
      } else {
      }
    }
    "tpu.region"() ({
      %run_scoped3A = tpu.sem_alloc : memref<!tpu.dma_semaphore, #tpu.memory_space<semaphore_mem>>
      %dma_start3A_70 = arith.constant 0 : i32
      %dma_start3A_71 = tpu.memref_slice %arg5[%mul3A_2, %dma_start3A_70] : memref<16384x64xf32, #tpu.memory_space<hbm>> -> memref<512x64xf32, #tpu.memory_space<hbm>>
      %dma_start3A_72 = arith.constant 0 : i32
      %dma_start3A_73 = tpu.memref_slice %arg5[%mul3A_2, %dma_start3A_72] : memref<16384x64xf32, #tpu.memory_space<hbm>> -> memref<512x64xf32, #tpu.memory_space<hbm>>
      tpu.enqueue_dma source(%arg13 : memref<512x64xf32, #tpu.memory_space<vmem>>) target(%dma_start3A_73 : memref<512x64xf32, #tpu.memory_space<hbm>>) target_semaphore(%run_scoped3A : memref<!tpu.dma_semaphore, #tpu.memory_space<semaphore_mem>>)
      %dma_wait3A = arith.constant 0 : i32
      %dma_wait3A_74 = tpu.memref_slice %arg5[%mul3A_2, %dma_wait3A] : memref<16384x64xf32, #tpu.memory_space<hbm>> -> memref<512x64xf32, #tpu.memory_space<hbm>>
      %dma_wait3A_75 = arith.constant 0 : i32
      %dma_wait3A_76 = tpu.memref_slice %arg5[%mul3A_2, %dma_wait3A_75] : memref<16384x64xf32, #tpu.memory_space<hbm>> -> memref<512x64xf32, #tpu.memory_space<hbm>>
      tpu.wait_dma2 semaphore(%run_scoped3A : memref<!tpu.dma_semaphore, #tpu.memory_space<semaphore_mem>>) src(%arg13 : memref<512x64xf32, #tpu.memory_space<vmem>>) dst(%dma_wait3A_76 : memref<512x64xf32, #tpu.memory_space<hbm>>)
      tpu.yield
    }) : () -> ()
    return
  }
}

</mosaic_0001>

<sc_bundles>
// kernel: gather_offload_async_start
scs
__scs_entry_jumppad:
0x0: {  	(pc) =	sbr.rel $0x88, $3  }
0x1: {  	(tag) =	ssettag $0x0;
	lr =	simm.s32 $0x1  }
0x2: {  	[smem:$0x3F9F] =	sst lr;
	_ =	strace $0xD0000000  }
0x3: {  	_ = 	snop  }
0x4: {  	_ = 	snop  }
0x5: {  	_ = 	snop  }
0x6: {  	_ = 	snop  }
0x7: {  	_ = 	snop  }
__scs_overlays_trampoline_lowered:
0x8: {  	[smem:$0x3FAE] =	sst s0  }
0x9: {  	[smem:$0x3FAF] =	sst s1  }
0xa: {  	[smem:$0x3FB0] =	sst s2  }
0xb: {  	[smem:$0x3FB1] =	sst s3  }
0xc: {  	[smem:$0x3FB2] =	sst s4  }
0xd: {  	[smem:$0x3FB3] =	sst s5  }
0xe: {  	[smem:$0x3FB4] =	sst s6  }
0xf: {  	[smem:$0x3FB5] =	sst s7  }
0x10: {  	[smem:$0x3FB6] =	sst s8  }
0x11: {  	[smem:$0x3FB7] =	sst s9;
	s0 =	simm.s32 @!p0 $0x0  }
0x12: {  	s1 =	sld [smem:$0x3F9D];
	s0 =	simm.s32 @p0 $0x1  }
0x13: {  	[smem:$0x3FB8] =	sst s0;
	s0 =	simm.s32 @!p1 $0x0  }
0x14: {  	s2 =	sld [smem:$0x3F9C];
	s0 =	simm.s32 @p1 $0x1  }
0x15: {  	[smem:$0x3FB9] =	sst s0;
	s0 =	simm.s32 @!p2 $0x0  }
0x16: {  	s3 =	sld [smem:$0x3FDB];
	s0 =	simm.s32 @p2 $0x1  }
0x17: {  	s4 =	simm.s32 $0x1BF5;
	[smem:$0x3FBB] =	sst s0  }
0x18: {  	s0 =	sld [smem:$0x3F9E];
	_ =	swait.ge [sflag:s4], $0x0  }
0x19: {  	s7 =	sld [smem:$0x3F9F]  }
0x1a: {  	s8 =	sadd.s32 $0xFFFFE003, lr  }
0x1b: {  	s9 =	sadd.s32 $0xFFFFFEF7, lr;
	s5 =	simm.s32 $0xFFFFFFFF;
	p2 =	slt.u32 s8, $0xFFFFF086  }
0x1c: {  	p1 =	slt.u32 s9, $0xF7A;
	s5 =	simm.s32 @!p2 $0x0  }
0x1d: {  	s5 =	simm.s32 @p1 $0x1;
	p0 =	seq.s32 s7, s2  }
0x1e: {  	s7 =	smul.u32 @!p0 $0xF7A, s2;
	p2 =	seq.s32 @!p0 s5, $0x0  }
0x1f: {  	s9 =	smul.u32 $0xF7A, s1;
	s8 =	simm.s32 @!p0 $0x1BF5;
	p2 =	por !p2, p0  }
0x20: {  	[sflag:s8] =	ssyncset.s32 @!p0 $0xFFFFF086;
	s6 =	sadd.s32 @!p0 s3, s7;
	s7 =	simm.s32 @!p0 $0x108  }
0x21: {  	s3 =	sadd.s32 s3, s9;
	s6 =	sadd.s32 @!p0 $0x88, s6;
	s7 =	simm.s32 @p2 $0x1082  }
0x22: {  	[simem:s7], [sflag:s8] =	dma.local @!p0 [hbm:s6], $0xF7A  }
0x23: {  	s9 =	sor.u32 $0xD0000000, s2;
	s6 =	simm.s32 $0x108;
	_ =	swait.ge @!p0 [sflag:s8], $0x0  }
0x24: {  	s3 =	sadd.s32 $0x88, s3;
	s6 =	simm.s32 @!p1 $0x1082;
	[sflag:s4] =	ssyncset.s32 $0xFFFFF086  }
0x25: {  	[simem:s6], [sflag:s4] =	dma.local [hbm:s3], $0xF7A  }
0x26: {  	[smem:$0x3F9F] =	sst s1;
	(tag) =	ssettag s2;
	_ =	strace s9  }
0x27: {  	s1 =	sld [smem:$0x3FAF]  }
0x28: {  	s2 =	sld [smem:$0x3FB0]  }
0x29: {  	s4 =	sld [smem:$0x3FB2]  }
0x2a: {  	p0 =	seq.s32 s5, $0x0;
	s5 =	sld [smem:$0x3FB3]  }
0x2b: {  	s6 =	sld [smem:$0x3FB4]  }
0x2c: {  	s7 =	sld [smem:$0x3FB5]  }
0x2d: {  	s3 =	simm.s32 $0x108;
	s8 =	sld [smem:$0x3FB6]  }
0x2e: {  	s3 =	simm.s32 @!p0 $0x1082;
	s9 =	sld [smem:$0x3FB7]  }
0x2f: {  	lr =	sadd.s32 s0, s3;
	s0 =	sld [smem:$0x3FAE]  }
0x30: {  	s3 =	sld [smem:$0x3FB1]  }
0x31: {  	[smem:$0x3FBA] =	sst s10  }
0x32: {  	s10 =	sld [smem:$0x3FB8];
	_ =	sdelay $0x3  }
0x33: {  	p0 =	seq.s32 s10, $0x1;
	s10 =	sld [smem:$0x3FBA];
	_ =	sdelay $0x3  }
0x34: {  	[smem:$0x3FBA] =	sst s10  }
0x35: {  	s10 =	sld [smem:$0x3FB9];
	_ =	sdelay $0x3  }
0x36: {  	p1 =	seq.s32 s10, $0x1;
	s10 =	sld [smem:$0x3FBA];
	_ =	sdelay $0x3  }
0x37: {  	[smem:$0x3FBA] =	sst s10  }
0x38: {  	s10 =	sld [smem:$0x3FBB]  }
0x39: {  	_ = 	snop;
	(pc) =	sbr.ind lr, $3  }
0x3a: {  	_ = 	snop  }
0x3b: {  	_ = 	snop  }
0x3c: {  	p2 =	seq.s32 s10, $0x1;
	s10 =	sld [smem:$0x3FBA]  }
0x3d: {  	_ =	shalt  }
0x3e: {  	_ =	shalt  }
0x3f: {  	_ =	shalt  }
0x40: {  	_ =	shalt  }
0x41: {  	_ =	shalt  }
0x42: {  	_ =	shalt  }
0x43: {  	_ =	shalt  }
0x44: {  	_ =	shalt  }
0x45: {  	_ =	shalt  }
0x46: {  	_ =	shalt  }
0x47: {  	_ =	shalt  }
0x48: {  	_ =	shalt  }
0x49: {  	_ =	shalt  }
0x4a: {  	_ =	shalt  }
0x4b: {  	_ =	shalt  }
0x4c: {  	_ =	shalt  }
0x4d: {  	_ =	shalt  }
0x4e: {  	_ =	shalt  }
0x4f: {  	_ =	shalt  }
0x50: {  	_ =	shalt  }
0x51: {  	_ =	shalt  }
0x52: {  	_ =	shalt  }
0x53: {  	_ =	shalt  }
0x54: {  	_ =	shalt  }
0x55: {  	_ =	shalt  }
0x56: {  	_ =	shalt  }
0x57: {  	_ =	shalt  }
0x58: {  	_ =	shalt  }
0x59: {  	_ =	shalt  }
0x5a: {  	_ =	shalt  }
0x5b: {  	_ =	shalt  }
0x5c: {  	_ =	shalt  }
0x5d: {  	_ =	shalt  }
0x5e: {  	_ =	shalt  }
0x5f: {  	_ =	shalt  }
0x60: {  	_ =	shalt  }
0x61: {  	_ =	shalt  }
0x62: {  	_ =	shalt  }
0x63: {  	_ =	shalt  }
0x64: {  	_ =	shalt  }
0x65: {  	_ =	shalt  }
0x66: {  	_ =	shalt  }
0x67: {  	_ =	shalt  }
0x68: {  	_ =	shalt  }
0x69: {  	_ =	shalt  }
0x6a: {  	_ =	shalt  }
0x6b: {  	_ =	shalt  }
0x6c: {  	_ =	shalt  }
0x6d: {  	_ =	shalt  }
0x6e: {  	_ =	shalt  }
0x6f: {  	_ =	shalt  }
0x70: {  	_ =	shalt  }
0x71: {  	_ =	shalt  }
0x72: {  	_ =	shalt  }
0x73: {  	_ =	shalt  }
0x74: {  	_ =	shalt  }
0x75: {  	_ =	shalt  }
0x76: {  	_ =	shalt  }
0x77: {  	_ =	shalt  }
0x78: {  	_ =	shalt  }
0x79: {  	_ =	shalt  }
0x7a: {  	_ =	shalt  }
0x7b: {  	_ =	shalt  }
0x7c: {  	_ =	shalt  }
0x7d: {  	_ =	shalt  }
0x7e: {  	_ =	shalt  }
0x7f: {  	_ =	shalt  }
0x80: {  	_ =	shalt  }
0x81: {  	_ =	shalt  }
0x82: {  	_ =	shalt  }
0x83: {  	_ =	shalt  }
0x84: {  	_ =	shalt  }
0x85: {  	_ =	shalt  }
0x86: {  	_ =	shalt  }
0x87: {  	_ =	shalt  }
.Lfunc_end0:
.L_simem_size_0:
called_computation_lowered:
.L_overlay_start_0:
0x88: {  	s2 =	sld [smem:$0x3FD9]  }
0x89: {  	s3 =	sld [smem:$0x3FFE];
	_ =	sdelay $0x1  }
0x8a: {  	s1 =	srdreg.scid  }
0x8b: {  	s0 =	sand.u32 $0x1, s1  }
0x8c: {  	s16 =	sshll.u32 s0, $0xA;
	s2 =	sadd.s32 s3, s2  }
0x8d: {  	s2 =	sadd.s32 s2, s16  }
0x8e: {  	[smem:$0x3FC6] =	sst s2  }
0x8f: {  	_ = 	snop  }
0x90: {  	(tm) =	ssettm $0x1  }
0x91: {  	s17 =	sld [smem:$0x3FFB];
	_ =	sdelay $0x3  }
0x92: {  	_ =	strace s17  }
0x93: {  	s2 =	sld [smem:$0x3FFC];
	_ =	sdelay $0x3  }
0x94: {  	_ =	strace s2  }
0x95: {  	s2 =	sld [smem:$0x3FFD];
	_ =	sdelay $0x3  }
0x96: {  	_ =	strace s2  }
0x97: {  	_ =	strace $0x8FFFFFFF  }
0x98: {  	s18 =	sld [smem:$0x3FDB];
	_ =	sdelay $0x1  }
0x99: {  	s19 =	simm.s32 $_scs_section_size  }
0x9a: {  	s4 =	simm.s32 $_size__tile_overlayer_lowered;
	s5 =	simm.s32 $_tile_overlayer_lowered  }
0x9b: {  	s22 =	simm.s32 $0x1BFF;
	s21 =	sshll.u32 s5, $0x1;
	s2 =	sadd.s32 s19, s18  }
0x9c: {  	s6 =	simm.s32 $0x0;
	s20 =	sshll.u32 s4, $0x1;
	s4 =	sadd.s32 s21, s2  }
0x9d: {  	[timem:s6], [sflag:s22] =	dma.local [hbm:s4], s20  }
0x9e: {  	_ =	swait.ge [sflag:s22], s20  }
0x9f: {  	s3 =	ssub.s32 $0x0, s20;
	[sflag:s22] =	ssyncset.done $0x0  }
0xa0: {  	[sflag:s22] =	ssyncadd.s32 s3;
	_ =	sdelay $0x1  }
0xa1: {  	s23 =	simm.s32 $0x1B8B  }
0xa2: {  	_ =	swait.ge [sflag:s23], $0x1  }
0xa3: {  	[sflag:s23] =	ssyncset.done $0x0  }
0xa4: {  	s25 =	simm.s32 $0x1B8E;
	s24 =	sld [smem:$0x3FFE];
	[sflag:s23] =	ssyncadd.s32 $0xFFFFFFFF  }
0xa5: {  	s26 =	simm.s32 $execute0_lowered;
	[smem:$0x3FD2] =	sst s25  }
0xa6: {  	s4 =	sshll.u32 s26, $0x1;
	_ =	strace $0x80000049;
	[dreg:$0x1] =	wrdreg $0xFFFFFFFF  }
0xa7: {  	s28 =	simm.s32 $_size_execute0_lowered;
	s2 =	sadd.s32 s2, s4;
	[dreg:$0x0] =	wrdreg $0x0  }
0xa8: {  	s4 =	sshll.u32 s28, $0x1;
	[dreg:$0x2] =	wrdreg s2  }
0xa9: {  	[dreg:$0x3] =	wrdreg s4  }
0xaa: {  	[dreg:$0x4] =	wrdreg $0xC0  }
0xab: {  	_ =	task [dreg:s6], $0x5FFFF  }
0xac: {  	[dreg:$0x1] =	wrdreg $0xFFFFFFFF  }
0xad: {  	[dreg:$0x0] =	wrdreg $0x60  }
0xae: {  	[dreg:$0x2] =	wrdreg s24  }
0xaf: {  	[dreg:$0x3] =	wrdreg $0x9  }
0xb0: {  	_ =	task.clear_ibuf [dreg:s6], $0x4FFFF;
	_ =	strace $0x90000049  }
0xb1: {  	s29 =	simm.s32 $0x9;
	_ =	strace $0x8000004B  }
0xb2: {  	_ =	swait.ge [sflag:s29], $0x1  }
0xb3: {  	[sflag:s29] =	ssyncadd.s32 $0xFFFFFFFF  }
0xb4: {  	_ =	strace $0x9000004B  }
0xb5: {  	_ =	sfence  }
0xb6: {  	s30 =	sld [smem:$0x0];
	_ =	sdelay $0x2  }
0xb7: {  	s31 =	sshll.u32 s1, $0xD;
	s1 =	sshrl.u32 s1, $0x2  }
0xb8: {  	s3 =	sand.u32 $0x4000, s31;
	s1 =	sadd.s32 s1, s30  }
0xb9: {  	s0 =	sor.u32 s3, s0;
	s1 =	sshll.u32 s1, $0x11  }
0xba: {  	s0 =	sor.u32 s1, s0  }
0xbb: {  	s0 =	sadd.s32 $0x8F2B, s0  }
0xbc: {  	[sflag:s0] =	ssyncadd.remote.s32 $0x1  }
0xbd: {  	_ =	sfence.sel $0xFFFF  }
0xbe: {  	[dreg:$0x0] =	wrdreg $0xFFFFFFFF;
	(pc) =	sbr.abs _section_cstart, $3  }
0xbf: {  	[dreg:$0x1] =	wrdreg $0xFFFFFFFF  }
0xc0: {  	_ =	task.clear_ibuf [dreg:s6], $0x2FFFF;
	_ =	strace $0x9FFFFFFF  }
0xc1: {  	(tm) =	ssettm $0x7FFFFFFF  }
tec
execute0_lowered:
.L_overlay_start_1:
0x0: {  	(tag) =	ssettag $0x1  }
0x1: {  	s7 =	rddreg [dreg:$0x0]  }
0x2: {  	s0 =	rddreg [dreg:$0x1];
	_ =	strace $0x8000004A  }
0x3: {  	s1 =	srdreg.scid;
	s4 =	simm.s32 $0x1;
	s9 =	simm.s32 $0x3  }
0x4: {  	s11 =	simm.s32 $0x0;
	p0 =	por $0x0, $0x0;
	s5 =	sshll.u32 s1, $0x4  }
.Ltmp0:
0x5: {  	s1 =	stileid.u32;
	s5 =	sand.u32 $0x10, s5;
	(pc) =	sbr.rel .LBB2_1-.Ltmp0, $4  }
0x6: {  	s2 =	sadd.s32 $0xC00, s7;
	s3 =	sadd.s32 $0x400, s7;
	s6 =	sor.u32 s1, s5  }
0x7: {  	[sflag:s4] =	ssyncpa.u1 $0x0;
	s5 =	simm.s32 $0x2;
	s6 =	sshll.u32 s6, $0x9  }
0x8: {  	s7 =	sadd.s32 $0x40C00, s7;
	[sflag:s5] =	ssyncpa.u1 $0x0;
	s8 =	sadd.s32 $0x200, s6  }
0x9: {  	vm0 =	vmmov $0xff;
	vm1 =	vcmask $0x3F20;
	[sflag:s9] =	ssyncpa.u1 $0x0;
	s10 =	smov.u32 s6;
	s9 =	simm.s32 $0x0  }
.LBB2_7:
0xa: {  	p1 =	slt.u32 s9, $0x2;
	s11 =	sadd.s32 $0x100, s10  }
0xb: {  	s13 =	smov.u32 s6;
	s9 =	sadd.s32 $0x1, s9;
	p2 =	slt.s32 s11, s8  }
0xc: {  	s13 =	smov.u32 @p2 s11;
	p2 =	sne.s32 s9, $0x4  }
.Ltmp1:
0xd: {  	_ = 	snop;
	(pc) =	sbr.rel @!p2 .LBB2_8-.Ltmp1, $4  }
0xe: {  	s12 =	simm.s32 @!p1 $0x3  }
0xf: {  	_ =	swait.ge @!p1 [sflag:s12], $0x8000  }
0x10: {  	p0 =	por !p0, !p0;
	[sflag:s12] =	ssyncset.done @!p1 $0x0  }
0x11: {  	s11 =	smov.u32 s10;
	s10 =	smov.u32 s13;
	[sflag:s12] =	ssyncadd.s32 @!p1 $0xFFFF8000  }
.LBB2_1:
0x12: {  	p1 =	sgt.u32 s9, $0x1  }
0x13: {  	s12 =	sshll.u32 @!p1 s9, $0x8;
	s13 =	sshrl.u32 @!p1 s10, $0x3  }
0x14: {  	s14 =	sand.u32 @!p1 $0x7, s10;
	s12 =	sxor.u32 @!p1 $0x100, s12;
	s13 =	sadd.s32 @!p1 s3, s13  }
0x15: {  	[tilespmem:s12], [sflag:$0x2] =	stream.linear.gather @!p1 [hbm4b:s13+s14], $0x100, $0x38;
	[tilespmem:$0x10200] =	vst v63  }
0x16: {  	p1 =	seq.s32 s9, $0x0  }
0x17: {  	p2 =	seq.s32 @!p1 s9, $0x3  }
0x18: {  	p1 =	por p1, p2  }
.Ltmp2:
0x19: {  	_ = 	snop;
	(pc) =	sbr.rel @p1 .LBB2_7-.Ltmp2, $1  }
0x1a: {  	_ =	sdelay $0x3  }
0x1b: {  	s12 =	simm.s32 $0x1  }
0x1c: {  	_ =	swait.ge [sflag:s5], $0x100;
	s12 =	simm.s32 @!p0 $0x0  }
0x1d: {  	[sflag:s5] =	ssyncset.done $0x0;
	s14 =	sshll.u32 s12, $0x8  }
0x1e: {  	[sflag:s5] =	ssyncadd.s32 $0xFFFFFF00;
	s13 =	sadd.s32 $0x0, s14  }
0x1f: {  	v0 =	vld.msk [tilespmem:s13+$0x0 ss:$0x1], $0xffff;
	_ =	sdelay $0x4  }
0x20: {  	vm2 =	vgt.s32 v0, $0x0  }
0x21: {  	v0 =	vnsel vm2, $0x0, v0  }
0x22: {  	v0 =	vmin.u32 v0, $0x3FFF  }
0x23: {  	v0 =	vshll.u32 v0, $0x4;
	_ =	sdelay $0x2  }
0x24: {  	s12 =	sshll.u32 s12, $0xF  }
0x25: {  	s12 =	sor.u32 $0x200, s12  }
0x26: {  	[tilespmem:s12], [sflag:$0x1] =	stream.indirect_vreg.gather [hbm:s2], $0x80, v0, vm0, $0x38;
	[tilespmem:$0x10200] =	vst v63  }
0x27: {  	s15 =	sadd.s32 $0x10, s14;
	s13 =	sadd.s32 $0x400, s12  }
0x28: {  	[tilespmem:s13], [sflag:$0x1] =	stream.indirect_vreg.gather [hbm:s2], $0x80, v0, vm1, $0x38;
	[tilespmem:$0x10200] =	vst v63  }
0x29: {  	s16 =	simm.s32 $0x80;
	v0 =	vld.msk [tilespmem:s15+$0x0 ss:$0x1], $0xffff;
	s15 =	smov.u32 s12  }
.LBB2_3:
0x2a: {  	p1 =	sne.s32 s16, $0x3C0;
	_ =	sdelay $0x4  }
0x2b: {  	vm2 =	vgt.s32 v0, $0x0  }
0x2c: {  	v0 =	vnsel vm2, $0x0, v0  }
0x2d: {  	v0 =	vmin.u32 v0, $0x3FFF  }
0x2e: {  	v0 =	vshll.u32 v0, $0x4;
	_ =	sdelay $0x3  }
.Ltmp3:
0x2f: {  	s17 =	sshra.s32 s16, $0x2;
	s15 =	sadd.s32 $0x800, s15;
	(pc) =	sbr.rel @p1 .LBB2_3-.Ltmp3, $4  }
0x30: {  	[tilespmem:s15], [sflag:$0x1] =	stream.indirect_vreg.gather [hbm:s2], $0x80, v0, vm0, $0x38;
	[tilespmem:$0x10200] =	vst v63  }
0x31: {  	s17 =	sadd.s32 s17, s14;
	s18 =	sadd.s32 $0x400, s15  }
0x32: {  	[tilespmem:s18], [sflag:$0x1] =	stream.indirect_vreg.gather [hbm:s2], $0x80, v0, vm1, $0x38;
	[tilespmem:$0x10200] =	vst v63  }
0x33: {  	s16 =	sadd.s32 $0x40, s16;
	v0 =	vld.msk [tilespmem:s17+$0x0 ss:$0x1], $0xffff  }
0x34: {  	_ =	sdelay $0x3  }
0x35: {  	vm2 =	vgt.s32 v0, $0x0  }
0x36: {  	v0 =	vnsel vm2, $0x0, v0  }
0x37: {  	v0 =	vmin.u32 v0, $0x3FFF  }
0x38: {  	v0 =	vshll.u32 v0, $0x4;
	_ =	sdelay $0x3  }
0x39: {  	s14 =	sadd.s32 $0x800, s15  }
0x3a: {  	[tilespmem:s14], [sflag:$0x1] =	stream.indirect_vreg.gather [hbm:s2], $0x80, v0, vm0, $0x38;
	[tilespmem:$0x10200] =	vst v63  }
0x3b: {  	s14 =	sadd.s32 $0x400, s14  }
0x3c: {  	[tilespmem:s14], [sflag:$0x1] =	stream.indirect_vreg.gather [hbm:s2], $0x80, v0, vm1, $0x38;
	[tilespmem:$0x10200] =	vst v63  }
0x3d: {  	s11 =	sshll.u32 s11, $0x4;
	_ =	swait.ge [sflag:s4], $0x8000  }
0x3e: {  	s11 =	sadd.s32 s11, s7;
	[sflag:s4] =	ssyncset.done $0x0  }
0x3f: {  	s15 =	sadd.s32 $0x0, s11;
	s14 =	simm.s32 $0x80;
	[sflag:s4] =	ssyncadd.s32 $0xFFFF8000  }
.LBB2_5:
0x40: {  	[hbm:s15] =	stream.linear.scatter [tilespmem:s12], [sflag:$0x3], $0x400, $0x38;
	[tilespmem:$0x10200] =	vst v63  }
0x41: {  	s15 =	smov.u32 s14;
	s12 =	smov.u32 s13;
	p1 =	sne.s32 s14, $0xF80  }
.Ltmp4:
0x42: {  	s14 =	sadd.s32 $0x80, s14;
	(pc) =	sbr.rel @p1 .LBB2_5-.Ltmp4, $2  }
0x43: {  	_ =	sdelay $0x2  }
0x44: {  	s13 =	sadd.s32 $0x400, s13;
	s15 =	sadd.s32 s15, s11  }
.Ltmp5:
0x45: {  	(pc) =	sbr.rel .LBB2_7-.Ltmp5, $2  }
0x46: {  	_ =	sdelay $0x2  }
0x47: {  	[hbm:s15] =	stream.linear.scatter [tilespmem:s12], [sflag:$0x3], $0x400, $0x38;
	[tilespmem:$0x10200] =	vst v63  }
.LBB2_8:
0x48: {  	_ =	sfence.sel $0x180000  }
0x49: {  	s2 =	simm.s32 $0x2;
	[bflag:$0x0] =	sbarrier.arrive $0xFFFF  }
0x4a: {  	s30 =	simm.s32 $0x3;
	[sflag:s2] =	ssyncpa.u1 $0x1  }
0x4b: {  	s31 =	simm.s32 $0x1;
	[sflag:s30] =	ssyncpa.u1 $0x1  }
0x4c: {  	[sflag:s31] =	ssyncpa.u1 $0x1  }
0x4d: {  	p0 =	sne.s32 s1, $0x0;
	_ =	strace $0x9000004A  }
0x4e: {  	s0 =	sadd.s32 @!p0 $0x100000, s0;
	[bflag:$0x2] =	sbarrier.arrive $0xFFFF  }
0x4f: {  	[sflag:s0] =	ssyncadd.tile.s32 @!p0 $0x1;
	_ =	shalt  }
.Lfunc_end2:
_tile_overlayer_lowered:
.L_overlay_start_2:
0x50: {  	(tag) =	ssettag $0x2  }
0x51: {  	s0 =	rddreg [dreg:$0x0];
	s2 =	stileid.u32  }
0x52: {  	s1 =	rddreg [dreg:$0x1];
	p0 =	sne.s32 s2, $0x0  }
0x53: {  	s3 =	rddreg [dreg:$0x2];
	[bflag:$0x3] =	sbarrier.arrive $0xFFFF;
	s2 =	simm.s32 @!p0 $0x1C01  }
0x54: {  	[timem:s3], [sflag:s2] =	dma.local @!p0 [hbm:s0], s1  }
0x55: {  	s0 =	simm.s32 @!p0 $0x1  }
0x56: {  	_ =	swait.ge @!p0 [sflag:s0], s1  }
0x57: {  	s1 =	ssub.s32 @!p0 $0x0, s1;
	[sflag:s0] =	ssyncset.done @!p0 $0x0  }
0x58: {  	[sflag:s0] =	ssyncadd.s32 @!p0 s1  }
0x59: {  	[bflag:$0x3] =	sbarrier.arrive $0xFFFF  }
0x5a: {  	_ =	shalt  }

// kernel: kernel.3.cloned.1.call-start
scs
__scs_entry_jumppad:
0x0: {  	(pc) =	sbr.rel $0x88, $3  }
0x1: {  	(tag) =	ssettag $0x0;
	lr =	simm.s32 $0x1  }
0x2: {  	[smem:$0x3F9F] =	sst lr;
	_ =	strace $0xD0000000  }
0x3: {  	_ = 	snop  }
0x4: {  	_ = 	snop  }
0x5: {  	_ = 	snop  }
0x6: {  	_ = 	snop  }
0x7: {  	_ = 	snop  }
__scs_overlays_trampoline_lowered:
0x8: {  	[smem:$0x3FAE] =	sst s0  }
0x9: {  	[smem:$0x3FAF] =	sst s1  }
0xa: {  	[smem:$0x3FB0] =	sst s2  }
0xb: {  	[smem:$0x3FB1] =	sst s3  }
0xc: {  	[smem:$0x3FB2] =	sst s4  }
0xd: {  	[smem:$0x3FB3] =	sst s5  }
0xe: {  	[smem:$0x3FB4] =	sst s6  }
0xf: {  	[smem:$0x3FB5] =	sst s7  }
0x10: {  	[smem:$0x3FB6] =	sst s8  }
0x11: {  	[smem:$0x3FB7] =	sst s9;
	s0 =	simm.s32 @!p0 $0x0  }
0x12: {  	s1 =	sld [smem:$0x3F9D];
	s0 =	simm.s32 @p0 $0x1  }
0x13: {  	[smem:$0x3FB8] =	sst s0;
	s0 =	simm.s32 @!p1 $0x0  }
0x14: {  	s2 =	sld [smem:$0x3F9C];
	s0 =	simm.s32 @p1 $0x1  }
0x15: {  	[smem:$0x3FB9] =	sst s0;
	s0 =	simm.s32 @!p2 $0x0  }
0x16: {  	s3 =	sld [smem:$0x3FDB];
	s0 =	simm.s32 @p2 $0x1  }
0x17: {  	s4 =	simm.s32 $0x1BF5;
	[smem:$0x3FBB] =	sst s0  }
0x18: {  	s0 =	sld [smem:$0x3F9E];
	_ =	swait.ge [sflag:s4], $0x0  }
0x19: {  	s7 =	sld [smem:$0x3F9F]  }
0x1a: {  	s8 =	sadd.s32 $0xFFFFE003, lr  }
0x1b: {  	s9 =	sadd.s32 $0xFFFFFEF7, lr;
	s5 =	simm.s32 $0xFFFFFFFF;
	p2 =	slt.u32 s8, $0xFFFFF086  }
0x1c: {  	p1 =	slt.u32 s9, $0xF7A;
	s5 =	simm.s32 @!p2 $0x0  }
0x1d: {  	s5 =	simm.s32 @p1 $0x1;
	p0 =	seq.s32 s7, s2  }
0x1e: {  	s7 =	smul.u32 @!p0 $0xF7A, s2;
	p2 =	seq.s32 @!p0 s5, $0x0  }
0x1f: {  	s9 =	smul.u32 $0xF7A, s1;
	s8 =	simm.s32 @!p0 $0x1BF5;
	p2 =	por !p2, p0  }
0x20: {  	[sflag:s8] =	ssyncset.s32 @!p0 $0xFFFFF086;
	s6 =	sadd.s32 @!p0 s3, s7;
	s7 =	simm.s32 @!p0 $0x108  }
0x21: {  	s3 =	sadd.s32 s3, s9;
	s6 =	sadd.s32 @!p0 $0x88, s6;
	s7 =	simm.s32 @p2 $0x1082  }
0x22: {  	[simem:s7], [sflag:s8] =	dma.local @!p0 [hbm:s6], $0xF7A  }
0x23: {  	s9 =	sor.u32 $0xD0000000, s2;
	s6 =	simm.s32 $0x108;
	_ =	swait.ge @!p0 [sflag:s8], $0x0  }
0x24: {  	s3 =	sadd.s32 $0x88, s3;
	s6 =	simm.s32 @!p1 $0x1082;
	[sflag:s4] =	ssyncset.s32 $0xFFFFF086  }
0x25: {  	[simem:s6], [sflag:s4] =	dma.local [hbm:s3], $0xF7A  }
0x26: {  	[smem:$0x3F9F] =	sst s1;
	(tag) =	ssettag s2;
	_ =	strace s9  }
0x27: {  	s1 =	sld [smem:$0x3FAF]  }
0x28: {  	s2 =	sld [smem:$0x3FB0]  }
0x29: {  	s4 =	sld [smem:$0x3FB2]  }
0x2a: {  	p0 =	seq.s32 s5, $0x0;
	s5 =	sld [smem:$0x3FB3]  }
0x2b: {  	s6 =	sld [smem:$0x3FB4]  }
0x2c: {  	s7 =	sld [smem:$0x3FB5]  }
0x2d: {  	s3 =	simm.s32 $0x108;
	s8 =	sld [smem:$0x3FB6]  }
0x2e: {  	s3 =	simm.s32 @!p0 $0x1082;
	s9 =	sld [smem:$0x3FB7]  }
0x2f: {  	lr =	sadd.s32 s0, s3;
	s0 =	sld [smem:$0x3FAE]  }
0x30: {  	s3 =	sld [smem:$0x3FB1]  }
0x31: {  	[smem:$0x3FBA] =	sst s10  }
0x32: {  	s10 =	sld [smem:$0x3FB8];
	_ =	sdelay $0x3  }
0x33: {  	p0 =	seq.s32 s10, $0x1;
	s10 =	sld [smem:$0x3FBA];
	_ =	sdelay $0x3  }
0x34: {  	[smem:$0x3FBA] =	sst s10  }
0x35: {  	s10 =	sld [smem:$0x3FB9];
	_ =	sdelay $0x3  }
0x36: {  	p1 =	seq.s32 s10, $0x1;
	s10 =	sld [smem:$0x3FBA];
	_ =	sdelay $0x3  }
0x37: {  	[smem:$0x3FBA] =	sst s10  }
0x38: {  	s10 =	sld [smem:$0x3FBB]  }
0x39: {  	_ = 	snop;
	(pc) =	sbr.ind lr, $3  }
0x3a: {  	_ = 	snop  }
0x3b: {  	_ = 	snop  }
0x3c: {  	p2 =	seq.s32 s10, $0x1;
	s10 =	sld [smem:$0x3FBA]  }
0x3d: {  	_ =	shalt  }
0x3e: {  	_ =	shalt  }
0x3f: {  	_ =	shalt  }
0x40: {  	_ =	shalt  }
0x41: {  	_ =	shalt  }
0x42: {  	_ =	shalt  }
0x43: {  	_ =	shalt  }
0x44: {  	_ =	shalt  }
0x45: {  	_ =	shalt  }
0x46: {  	_ =	shalt  }
0x47: {  	_ =	shalt  }
0x48: {  	_ =	shalt  }
0x49: {  	_ =	shalt  }
0x4a: {  	_ =	shalt  }
0x4b: {  	_ =	shalt  }
0x4c: {  	_ =	shalt  }
0x4d: {  	_ =	shalt  }
0x4e: {  	_ =	shalt  }
0x4f: {  	_ =	shalt  }
0x50: {  	_ =	shalt  }
0x51: {  	_ =	shalt  }
0x52: {  	_ =	shalt  }
0x53: {  	_ =	shalt  }
0x54: {  	_ =	shalt  }
0x55: {  	_ =	shalt  }
0x56: {  	_ =	shalt  }
0x57: {  	_ =	shalt  }
0x58: {  	_ =	shalt  }
0x59: {  	_ =	shalt  }
0x5a: {  	_ =	shalt  }
0x5b: {  	_ =	shalt  }
0x5c: {  	_ =	shalt  }
0x5d: {  	_ =	shalt  }
0x5e: {  	_ =	shalt  }
0x5f: {  	_ =	shalt  }
0x60: {  	_ =	shalt  }
0x61: {  	_ =	shalt  }
0x62: {  	_ =	shalt  }
0x63: {  	_ =	shalt  }
0x64: {  	_ =	shalt  }
0x65: {  	_ =	shalt  }
0x66: {  	_ =	shalt  }
0x67: {  	_ =	shalt  }
0x68: {  	_ =	shalt  }
0x69: {  	_ =	shalt  }
0x6a: {  	_ =	shalt  }
0x6b: {  	_ =	shalt  }
0x6c: {  	_ =	shalt  }
0x6d: {  	_ =	shalt  }
0x6e: {  	_ =	shalt  }
0x6f: {  	_ =	shalt  }
0x70: {  	_ =	shalt  }
0x71: {  	_ =	shalt  }
0x72: {  	_ =	shalt  }
0x73: {  	_ =	shalt  }
0x74: {  	_ =	shalt  }
0x75: {  	_ =	shalt  }
0x76: {  	_ =	shalt  }
0x77: {  	_ =	shalt  }
0x78: {  	_ =	shalt  }
0x79: {  	_ =	shalt  }
0x7a: {  	_ =	shalt  }
0x7b: {  	_ =	shalt  }
0x7c: {  	_ =	shalt  }
0x7d: {  	_ =	shalt  }
0x7e: {  	_ =	shalt  }
0x7f: {  	_ =	shalt  }
0x80: {  	_ =	shalt  }
0x81: {  	_ =	shalt  }
0x82: {  	_ =	shalt  }
0x83: {  	_ =	shalt  }
0x84: {  	_ =	shalt  }
0x85: {  	_ =	shalt  }
0x86: {  	_ =	shalt  }
0x87: {  	_ =	shalt  }
.Lfunc_end0:
.L_simem_size_0:
called_computation.1_lowered:
.L_overlay_start_0:
0x88: {  	s2 =	sld [smem:$0x3FD9]  }
0x89: {  	s3 =	sld [smem:$0x3FFE];
	_ =	sdelay $0x1  }
0x8a: {  	s1 =	srdreg.scid  }
0x8b: {  	s0 =	sand.u32 $0x1, s1  }
0x8c: {  	s17 =	sshll.u32 s0, $0xA;
	s2 =	sadd.s32 s3, s2  }
0x8d: {  	s2 =	sadd.s32 s2, s17  }
0x8e: {  	[smem:$0x3FC6] =	sst s2  }
0x8f: {  	_ = 	snop  }
0x90: {  	s2 =	sld [smem:$0x3FC8]  }
0x91: {  	s18 =	sld [smem:$0x3FD0];
	(tm) =	ssettm $0x1  }
0x92: {  	s4 =	sld [smem:$0x3FFB];
	_ =	sdelay $0x3  }
0x93: {  	_ =	strace s4  }
0x94: {  	s4 =	sld [smem:$0x3FFC];
	_ =	sdelay $0x3  }
0x95: {  	_ =	strace s4  }
0x96: {  	s4 =	sld [smem:$0x3FFD];
	_ =	sdelay $0x3  }
0x97: {  	_ =	strace s4  }
0x98: {  	_ =	strace $0x8FFFFFFF  }
0x99: {  	s19 =	sld [smem:$0x3FDB];
	_ =	sdelay $0x1  }
0x9a: {  	s5 =	simm.s32 $_scs_section_size  }
0x9b: {  	s6 =	simm.s32 $_size__tile_overlayer_lowered;
	s7 =	simm.s32 $_tile_overlayer_lowered  }
0x9c: {  	s22 =	simm.s32 $0x1BFF;
	s21 =	sshll.u32 s7, $0x1;
	s4 =	sadd.s32 s5, s19  }
0x9d: {  	s8 =	simm.s32 $0x0;
	s20 =	sshll.u32 s6, $0x1;
	s6 =	sadd.s32 s21, s4  }
0x9e: {  	[timem:s8], [sflag:s22] =	dma.local [hbm:s6], s20  }
0x9f: {  	_ =	swait.ge [sflag:s22], s20  }
0xa0: {  	s5 =	ssub.s32 $0x0, s20;
	[sflag:s22] =	ssyncset.done $0x0  }
0xa1: {  	[sflag:s22] =	ssyncadd.s32 s5;
	_ =	sdelay $0x1  }
0xa2: {  	s23 =	simm.s32 $0x1B8B  }
0xa3: {  	_ =	swait.ge [sflag:s23], $0x1  }
0xa4: {  	[sflag:s23] =	ssyncset.done $0x0  }
0xa5: {  	s25 =	simm.s32 $0x1B8E;
	s24 =	sld [smem:$0x3FFE];
	[sflag:s23] =	ssyncadd.s32 $0xFFFFFFFF  }
0xa6: {  	s26 =	simm.s32 $execute0_lowered;
	[smem:$0x3FD2] =	sst s25  }
0xa7: {  	s6 =	sshll.u32 s26, $0x1;
	_ =	strace $0x80000046;
	[dreg:$0x1] =	wrdreg $0xFFFFFFFF  }
0xa8: {  	s28 =	simm.s32 $_size_execute0_lowered;
	s4 =	sadd.s32 s4, s6;
	[dreg:$0x0] =	wrdreg $0x0  }
0xa9: {  	s6 =	sshll.u32 s28, $0x1;
	[dreg:$0x2] =	wrdreg s4  }
0xaa: {  	[dreg:$0x3] =	wrdreg s6  }
0xab: {  	[dreg:$0x4] =	wrdreg $0xC0  }
0xac: {  	_ =	task [dreg:s8], $0x5FFFF  }
0xad: {  	[dreg:$0x1] =	wrdreg $0xFFFFFFFF  }
0xae: {  	[dreg:$0x0] =	wrdreg $0x60  }
0xaf: {  	[dreg:$0x2] =	wrdreg s18  }
0xb0: {  	[dreg:$0x3] =	wrdreg s2  }
0xb1: {  	[dreg:$0x4] =	wrdreg s24  }
0xb2: {  	[dreg:$0x5] =	wrdreg $0x9  }
0xb3: {  	_ =	task.clear_ibuf [dreg:s8], $0x6FFFF;
	_ =	strace $0x90000046  }
0xb4: {  	s29 =	simm.s32 $0x9;
	_ =	strace $0x80000048  }
0xb5: {  	_ =	swait.ge [sflag:s29], $0x1  }
0xb6: {  	[sflag:s29] =	ssyncadd.s32 $0xFFFFFFFF  }
0xb7: {  	_ =	strace $0x90000048  }
0xb8: {  	_ =	sfence  }
0xb9: {  	s30 =	sld [smem:$0x0];
	_ =	sdelay $0x2  }
0xba: {  	s31 =	sshll.u32 s1, $0xD;
	s1 =	sshrl.u32 s1, $0x2  }
0xbb: {  	s3 =	sand.u32 $0x4000, s31;
	s1 =	sadd.s32 s1, s30  }
0xbc: {  	s0 =	sor.u32 s3, s0;
	s1 =	sshll.u32 s1, $0x11  }
0xbd: {  	s0 =	sor.u32 s1, s0  }
0xbe: {  	s0 =	sadd.s32 $0x8F2B, s0  }
0xbf: {  	[sflag:s0] =	ssyncadd.remote.s32 $0x1  }
0xc0: {  	_ =	sfence.sel $0xFFFF  }
0xc1: {  	[dreg:$0x0] =	wrdreg $0xFFFFFFFF;
	(pc) =	sbr.abs _section_cstart, $3  }
0xc2: {  	[dreg:$0x1] =	wrdreg $0xFFFFFFFF  }
0xc3: {  	_ =	task.clear_ibuf [dreg:s8], $0x2FFFF;
	_ =	strace $0x9FFFFFFF  }
0xc4: {  	(tm) =	ssettm $0x7FFFFFFF  }
0xc5: {  	_ =	shalt  }
tec
execute0_lowered:
.L_overlay_start_1:
0x0: {  	(tag) =	ssettag $0x1  }
0x1: {  	v0 =	vimm.s32 $0xB80;
	vm14 =	vcmask $0x300  }
0x2: {  	vm13 =	vcmask $0x704;
	vm12 =	vcmask $0xB08;
	vm11 =	vcmask $0xF0C  }
0x3: {  	vm10 =	vcmask $0x1310;
	vm9 =	vcmask $0x1714;
	vm8 =	vcmask $0x1B18  }
0x4: {  	vm7 =	vcmask $0x1F1C;
	vm6 =	vcmask $0x2320;
	vm5 =	vcmask $0x2724  }
0x5: {  	vm4 =	vcmask $0x2B28;
	vm3 =	vcmask $0x2F2C;
	vm2 =	vcmask $0x3330  }
0x6: {  	vm0 =	vcmask $0x3734;
	vm1 =	vcmask $0x3B38;
	v3 =	vlaneseq.u32  }
0x7: {  	v4 =	vimm.s32 $0x1B80;
	v5 =	vimm.s32 $0x2B80;
	v6 =	vimm.s32 $0x3B80  }
0x8: {  	v0 =	vsel vm14, $0x0, v0;
	v3 =	vmul.u32 $0x80, v3;
	v4 =	vsel vm14, $0x1000, v4  }
0x9: {  	v5 =	vsel vm14, $0x2000, v5;
	v6 =	vsel vm14, $0x3000, v6;
	v0 =	vsel vm13, $0x80, v0  }
0xa: {  	v4 =	vsel vm13, $0x1080, v4;
	v5 =	vsel vm13, $0x2080, v5;
	v6 =	vsel vm13, $0x3080, v6  }
0xb: {  	v0 =	vsel vm12, $0x100, v0;
	v4 =	vsel vm12, $0x1100, v4;
	v5 =	vsel vm12, $0x2100, v5  }
0xc: {  	v6 =	vsel vm12, $0x3100, v6;
	v9 =	vor.u32 $0x1800, v3;
	v0 =	vsel vm11, $0x180, v0  }
0xd: {  	v4 =	vsel vm11, $0x1180, v4;
	v5 =	vsel vm11, $0x2180, v5;
	v6 =	vsel vm11, $0x3180, v6  }
0xe: {  	v0 =	vsel vm10, $0x200, v0;
	v4 =	vsel vm10, $0x1200, v4;
	v5 =	vsel vm10, $0x2200, v5  }
0xf: {  	v6 =	vsel vm10, $0x3200, v6;
	v0 =	vsel vm9, $0x280, v0;
	v4 =	vsel vm9, $0x1280, v4  }
0x10: {  	v5 =	vsel vm9, $0x2280, v5;
	v6 =	vsel vm9, $0x3280, v6;
	v0 =	vsel vm8, $0x300, v0  }
0x11: {  	s5 =	rddreg [dreg:$0x0];
	v4 =	vsel vm8, $0x1300, v4;
	v5 =	vsel vm8, $0x2300, v5;
	v6 =	vsel vm8, $0x3300, v6  }
0x12: {  	s0 =	rddreg [dreg:$0x1];
	v0 =	vsel vm7, $0x380, v0;
	v4 =	vsel vm7, $0x1380, v4;
	v5 =	vsel vm7, $0x2380, v5  }
0x13: {  	s2 =	rddreg [dreg:$0x2];
	s4 =	srdreg.scid;
	v6 =	vsel vm7, $0x3380, v6;
	v0 =	vsel vm6, $0x800, v0;
	v4 =	vsel vm6, $0x1800, v4  }
0x14: {  	s3 =	stileid.u32;
	s10 =	simm.s32 $0x500;
	s12 =	simm.s32 $0x800;
	v5 =	vsel vm6, $0x2800, v5;
	v6 =	vsel vm6, $0x3800, v6;
	v0 =	vsel vm5, $0x880, v0  }
0x15: {  	s11 =	simm.s32 $0x4;
	s13 =	simm.s32 $0x7A1400;
	s14 =	simm.s32 $0x2780;
	v4 =	vsel vm5, $0x1880, v4;
	v5 =	vsel vm5, $0x2880, v5;
	v6 =	vsel vm5, $0x3880, v6  }
0x16: {  	s15 =	simm.s32 $0x1;
	s16 =	simm.s32 $0x6780;
	s17 =	simm.s32 $0xA780;
	v0 =	vsel vm4, $0x900, v0;
	v4 =	vsel vm4, $0x1900, v4;
	v5 =	vsel vm4, $0x2900, v5  }
0x17: {  	s18 =	simm.s32 $0xE780;
	s19 =	simm.s32 $0x0;
	s6 =	sand.u32 $0x1, s4;
	v6 =	vsel vm4, $0x3900, v6;
	v1 =	vsel vm3, $0x980, v0;
	v0 =	vimm.s32 $0x0  }
0x18: {  	s4 =	simm.s32 $0x0;
	s7 =	sshll.u32 s3, $0xA;
	s8 =	sshll.u32 s6, $0x9;
	v4 =	vsel vm3, $0x1980, v4;
	v5 =	vsel vm3, $0x2980, v5;
	v6 =	vsel vm3, $0x3980, v6  }
.Ltmp0:
0x19: {  	[smem:$0x7FF] =	sst s4;
	s6 =	ssub.s32 $0x2, s6;
	v2 =	vsel vm2, $0xA00, v1;
	v1 =	vimm.s32 $0x200;
	v4 =	vsel vm2, $0x1A00, v4;
	(pc) =	sbr.rel .LBB2_1-.Ltmp0, $4  }
0x1a: {  	s7 =	sor.u32 s8, s7;
	_ =	strace $0x80000047;
	s9 =	sshrl.u32 s6, $0x1;
	v5 =	vsel vm2, $0x2A00, v5;
	v8 =	vsel vm2, $0x3A00, v6;
	v2 =	vsel vm0, $0xA80, v2  }
0x1b: {  	s8 =	sshll.u32 s7, $0x4;
	s9 =	ssub.s32 s6, s9;
	s31 =	sshrl.u32 s7, $0x3;
	v4 =	vsel vm0, $0x1A80, v4;
	v7 =	vsel vm0, $0x2A80, v5;
	v5 =	vor.u32 $0x800, v3  }
0x1c: {  	s8 =	sadd.s32 s8, s2;
	s5 =	sadd.s32 s5, s31;
	s7 =	smax.u32 s9, $0x1;
	v8 =	vsel vm0, $0x3A80, v8;
	v2 =	vsel vm1, $0xB00, v2;
	v4 =	vsel vm1, $0x1B00, v4  }
0x1d: {  	s9 =	simm.s32 $0x280;
	s6 =	sadd.s32 $0xC00, s8;
	s8 =	simm.s32 $0x780;
	v6 =	vsel vm1, $0x2B00, v7;
	v7 =	vor.u32 $0x1000, v3;
	v8 =	vsel vm1, $0x3B00, v8  }
.LBB2_17:
0x1e: {  	s19 =	sadd.s32 $0x1, s19  }
0x1f: {  	p0 =	sne.s32 s19, s7  }
.Ltmp1:
0x20: {  	_ = 	snop;
	(pc) =	sbr.rel @!p0 .LBB2_18-.Ltmp1, $4  }
0x21: {  	[hbm4b:s6+s4] =	stream.linear.scatter [tilespmem:s18], [sflag:$0x4], $0x10000, $0x38;
	[tilespmem:$0x1E780] =	vst v63  }
0x22: {  	_ =	swait.ge [sflag:s11], $0x10000  }
0x23: {  	[sflag:s11] =	ssyncset.done $0x0  }
0x24: {  	[sflag:s11] =	ssyncadd.s32 $0xFFFF0000  }
.LBB2_1:
0x25: {  	[tilespmem:s4], [sflag:$0x4] =	stream.linear.gather [hbm4b:s5+s4], $0x200, $0x38;
	[tilespmem:$0x1E780] =	vst v63  }
0x26: {  	_ =	swait.ge [sflag:s11], $0x200  }
0x27: {  	[sflag:s11] =	ssyncset.done $0x0  }
0x28: {  	[sflag:s11] =	ssyncadd.s32 $0xFFFFFE00  }
0x29: {  	[tilespmem:s8], [sflag:$0x4] =	stream.linear.gather [hbm4b:s2+s4], $0x2000, $0x38;
	[tilespmem:$0x1E780] =	vst v63  }
0x2a: {  	_ =	swait.ge [sflag:s11], $0x2000  }
0x2b: {  	[sflag:s11] =	ssyncset.done $0x0  }
0x2c: {  	[sflag:s11] =	ssyncadd.s32 $0xFFFFE000  }
0x2d: {  	v10 =	vld [tilespmem:$0x0];
	_ =	sdelay $0x4  }
0x2e: {  	(v2sf) =	vpush v10, $0x0;
	_ =	sdelay $0xe  }
0x2f: {  	s20 =	spop (v2sf)  }
0x30: {  	s20 =	sshrl.u32 s20, $0x7  }
0x31: {  	s20 =	smin.u32 s20, $0x1E82  }
0x32: {  	v10 =	vmov s20  }
0x33: {  	s21 =	sshll.u32 s20, $0x7;
	[tilespmem:v0+s9+$0x0] =	vst.idx.msk $0x1, v10  }
0x34: {  	s21 =	sadd.s32 s0, s21;
	[tilespmem:v0+s10+$0x0] =	vst.idx.msk $0x1, v0  }
0x35: {  	[tilespmem:s14], [sflag:$0x1] =	stream.strided.gather [hbm4b:s21+s12], $0x4000, s13, s12, $0x38;
	[tilespmem:$0x1E780] =	vst v63  }
0x36: {  	v10 =	vld [tilespmem:s15+$0x0];
	_ =	sdelay $0x4  }
0x37: {  	(v2sf) =	vpush v10, $0x0;
	_ =	sdelay $0xe  }
0x38: {  	s31 =	spop (v2sf)  }
0x39: {  	s21 =	sshrl.u32 s31, $0x7  }
0x3a: {  	s22 =	sadd.s32 $0x1, s20;
	s23 =	smin.u32 s21, $0x1E82  }
0x3b: {  	p1 =	sle.u32 s23, s22  }
0x3c: {  	v10 =	vmov @!p1 s15;
	_ =	sdelay $0x2  }
0x3d: {  	s21 =	simm.s32 $0x2;
	p0 =	sgt.u32 s23, s22;
	s22 =	simm.s32 $0x1  }
0x3e: {  	v11 =	vmov @!p1 s23;
	s23 =	smov.u32 @p1 s20;
	s22 =	simm.s32 @!p0 $0x0;
	s24 =	simm.s32 @!p1 $0x280  }
0x3f: {  	s20 =	sadd.s32 $0x1, s22;
	s22 =	simm.s32 $0x1;
	[tilespmem:v10+s24+$0x0] =	vst.idx.msk @!p1 $0x1, v11;
	v11 =	vmov @!p1 s15;
	s24 =	simm.s32 @!p1 $0x500  }
.LBB2_2:
0x40: {  	s25 =	smov.u32 s23  }
0x41: {  	s22 =	sadd.s32 $0x1, s22;
	[tilespmem:v10+s24+$0x0] =	vst.idx.msk @!p1 $0x1, v11;
	s24 =	smov.u32 s21;
	s21 =	sadd.s32 $0x1, s21  }
0x42: {  	v10 =	vld [tilespmem:s22+$0x0];
	p0 =	sne.s32 s21, $0x200;
	_ =	sdelay $0x4  }
0x43: {  	(v2sf) =	vpush v10, $0x0;
	_ =	sdelay $0xe  }
0x44: {  	s23 =	spop (v2sf)  }
0x45: {  	s23 =	sshrl.u32 s23, $0x7  }
0x46: {  	s26 =	sadd.s32 $0x1, s25;
	s23 =	smin.u32 s23, $0x1E82  }
0x47: {  	p1 =	sle.u32 s23, s26  }
0x48: {  	p2 =	sgt.u32 s23, s26;
	v11 =	vmov @!p1 s23;
	s23 =	smov.u32 @p1 s25;
	s25 =	simm.s32 $0x1  }
0x49: {  	v10 =	vmov @!p1 s20;
	s25 =	simm.s32 @!p2 $0x0  }
.Ltmp2:
0x4a: {  	s20 =	sadd.s32 s25, s20;
	(pc) =	sbr.rel @p0 .LBB2_2-.Ltmp2, $3  }
0x4b: {  	_ =	sdelay $0x1  }
0x4c: {  	s25 =	simm.s32 @!p1 $0x280  }
0x4d: {  	[tilespmem:v10+s25+$0x0] =	vst.idx.msk @!p1 $0x1, v11;
	v11 =	vmov @!p1 s24;
	s24 =	simm.s32 @!p1 $0x500  }
0x4e: {  	v12 =	vmov s20;
	_ =	sdelay $0x3  }
0x4f: {  	[tilespmem:v10+s24+$0x0] =	vst.idx.msk @!p1 $0x1, v11  }
0x50: {  	[tilespmem:v12+s9+$0x0] =	vst.idx.msk $0x1, v0  }
0x51: {  	p0 =	slt.s32 s20, $0x2;
	[tilespmem:v12+s10+$0x0] =	vst.idx.msk $0x1, v1  }
0x52: {  	v10 =	vld @!p0 [tilespmem:$0x281];
	_ =	sdelay $0x4  }
0x53: {  	(v2sf) =	vpush @!p0 v10, $0x0;
	_ =	sdelay $0xc  }
0x54: {  	s23 =	sadd.s32 $0x2, s20  }
0x55: {  	s1 =	smulhi.u32 $0x55555556, s23;
	s25 =	sshra.s32 s23, $0x1F  }
0x56: {  	s25 =	smul.u32 $0x55555556, s25;
	s21 =	spop @!p0 (v2sf)  }
0x57: {  	s22 =	simm.s32 @!p0 $0x7A1400;
	s21 =	sshll.u32 @!p0 s21, $0x7  }
0x58: {  	s26 =	simm.s32 @!p0 $0x800;
	s29 =	sadd.s32 s25, s1;
	s21 =	sand.u32 @!p0 $0x1FFFFF80, s21  }
0x59: {  	s28 =	simm.s32 @!p0 $0x6780;
	s30 =	sshrl.u32 s29, $0x1F;
	s21 =	sadd.s32 @!p0 s0, s21  }
0x5a: {  	[tilespmem:s28], [sflag:$0x2] =	stream.strided.gather @!p0 [hbm4b:s21+s26], $0x4000, s22, s26, $0x38;
	[tilespmem:$0x1E780] =	vst v63  }
0x5b: {  	s21 =	sadd.s32 s30, s29  }
0x5c: {  	s22 =	smul.u32 $0xFFFFFFFD, s21  }
0x5d: {  	s31 =	ssub.s32 $0xFFFFFFFE, s20  }
0x5e: {  	p5 =	slt.s32 s23, $0x1;
	p6 =	sne.s32 s22, s31  }
0x5f: {  	p0 =	por !p5, !p6  }
0x60: {  	s22 =	simm.s32 $0x1;
	p0 =	por !p0, !p0  }
0x61: {  	s22 =	simm.s32 @!p0 $0x0  }
0x62: {  	s21 =	ssub.s32 s21, s22  }
0x63: {  	p0 =	slt.s32 s21, $0x1  }
.Ltmp3:
0x64: {  	_ = 	snop;
	(pc) =	sbr.rel @!p0 .LBB2_4-.Ltmp3, $4  }
.Ltmp4:
0x65: {  	_ = 	snop;
	(pc) =	sbr.rel @p0 .LBB2_17-.Ltmp4, $4  }
0x66: {  	_ = 	snop  }
0x67: {  	_ = 	snop  }
0x68: {  	s22 =	simm.s32 $0x0  }
0x69: {  	_ = 	snop  }
.LBB2_15:
0x6a: {  	v10 =	vpsel p1, v11, v10  }
0x6b: {  	[tilespmem:s25+$0x10] =	vst v10  }
.LBB2_16:
0x6c: {  	s22 =	sadd.s32 $0x1, s22  }
0x6d: {  	p0 =	sne.s32 s22, s21  }
.Ltmp5:
0x6e: {  	_ = 	snop;
	(pc) =	sbr.rel @!p0 .LBB2_17-.Ltmp5, $1  }
0x6f: {  	_ =	sdelay $0x3  }
.LBB2_4:
0x70: {  	s23 =	smul.u32 $0x3, s22;
	_ =	sdelay $0x1  }
0x71: {  	p0 =	sge.s32 s23, s20  }
0x72: {  	s24 =	simm.s32 @!p0 $0x1  }
0x73: {  	s25 =	sadd.s32 @!p0 $0x2, s23;
	_ =	swait.ge @!p0 [sflag:s24], $0x4000  }
0x74: {  	p1 =	sge.s32 @!p0 s25, s20;
	[sflag:s24] =	ssyncset.done @!p0 $0x0  }
0x75: {  	p1 =	por p1, p0;
	[sflag:s24] =	ssyncadd.s32 @!p0 $0xFFFFC000  }
0x76: {  	v10 =	vld @!p1 [tilespmem:s25+$0x280];
	_ =	sdelay $0x4  }
0x77: {  	(v2sf) =	vpush @!p1 v10, $0x0;
	_ =	sdelay $0xe  }
0x78: {  	s24 =	spop @!p1 (v2sf)  }
0x79: {  	s24 =	sshll.u32 @!p1 s24, $0x7  }
0x7a: {  	s26 =	simm.s32 @!p1 $0x7A1400;
	s24 =	sand.u32 @!p1 $0x1FFFFF80, s24  }
0x7b: {  	s28 =	simm.s32 @!p1 $0xA780;
	s25 =	simm.s32 @!p1 $0x800;
	s24 =	sadd.s32 @!p1 s0, s24  }
0x7c: {  	[tilespmem:s28], [sflag:$0x3] =	stream.strided.gather @!p1 [hbm4b:s24+s25], $0x4000, s26, s25, $0x38;
	[tilespmem:$0x1E780] =	vst v63  }
0x7d: {  	v10 =	vld @!p0 [tilespmem:s23+$0x280]  }
0x7e: {  	v11 =	vld @!p0 [tilespmem:s23+$0x500]  }
0x7f: {  	v12 =	vld @!p0 [tilespmem:s23+$0x501];
	_ =	sdelay $0x2  }
0x80: {  	(v2sf) =	vpush @!p0 v10, $0x0  }
0x81: {  	(v2sf) =	vpush @!p0 v11, $0x0  }
0x82: {  	(v2sf) =	vpush @!p0 v12, $0x0;
	_ =	sdelay $0xc  }
0x83: {  	s25 =	spop @!p0 (v2sf)  }
0x84: {  	s28 =	spop @!p0 (v2sf)  }
0x85: {  	s29 =	spop @!p0 (v2sf)  }
0x86: {  	p1 =	sle.s32 @!p0 s29, s28  }
0x87: {  	p1 =	por p0, p1  }
.Ltmp6:
0x88: {  	_ = 	snop;
	(pc) =	sbr.rel @p1 .LBB2_8-.Ltmp6, $1  }
0x89: {  	_ =	sdelay $0x3  }
0x8a: {  	s24 =	sshll.u32 s28, $0x2  }
0x8b: {  	s24 =	sshra.s32 s24, $0x2  }
0x8c: {  	v10 =	vld [tilespmem:s24+$0x0];
	_ =	sdelay $0x4  }
0x8d: {  	(v2sf) =	vpush v10, $0x0;
	_ =	sdelay $0xe  }
0x8e: {  	s25 =	sshll.u32 @!p0 s25, $0x7;
	s26 =	spop (v2sf)  }
0x8f: {  	s30 =	ssub.s32 s26, s25  }
0x90: {  	p0 =	sgt.s32 s30, $0x0  }
0x91: {  	s30 =	simm.s32 @!p0 $0x0  }
0x92: {  	s31 =	sadd.s32 $0xFFF0BE00, s26;
	s30 =	smin.u32 s30, $0xFF  }
0x93: {  	p0 =	sgt.s32 s31, $0x0;
	v10 =	vmov s30  }
0x94: {  	s31 =	simm.s32 @!p0 $0x0;
	v11 =	vshll.u32 v10, $0x3  }
0x95: {  	s30 =	smin.u32 s31, $0x3F;
	v10 =	vand.u32 $0x7F, v10;
	v11 =	vand.u32 $0x400, v11  }
0x96: {  	v12 =	vor.u32 s30, v3;
	v10 =	vor.u32 v10, v11  }
0x97: {  	v11 =	vor.u32 v2, v10;
	_ =	sdelay $0x3  }
0x98: {  	v12 =	vld.idx.msk [tilespmem:v12+s8+$0x0], $0xffff  }
0x99: {  	v11 =	vld.idx.msk [tilespmem:v11+s14+$0x0], $0xffff;
	_ =	sdelay $0x1  }
0x9a: {  	v13 =	vor.u32 v4, v10  }
0x9b: {  	s1 =	sshll.u32 s28, $0x9;
	v14 =	vor.u32 s30, v5  }
0x9c: {  	p1 =	sgt.s32 s26, $0xF41FF;
	s31 =	sshra.s32 s1, $0x2  }
0x9d: {  	s26 =	sadd.s32 $0xE7A0, s31;
	v11 =	vpsel p1, v12, v11  }
0x9e: {  	[tilespmem:s26+$0xFFFFFFE0] =	vst v11  }
0x9f: {  	v11 =	vld.idx.msk [tilespmem:v13+s14+$0x0], $0xffff  }
0xa0: {  	v59 =	vld.idx.msk [tilespmem:v14+s8+$0x0], $0xffff;
	_ =	sdelay $0x1  }
0xa1: {  	v60 =	vor.u32 v6, v10  }
0xa2: {  	v61 =	vor.u32 s30, v7;
	_ =	sdelay $0x1  }
0xa3: {  	v11 =	vpsel p1, v59, v11  }
0xa4: {  	[tilespmem:s26+$0xFFFFFFF0] =	vst v11  }
0xa5: {  	v11 =	vld.idx.msk [tilespmem:v60+s14+$0x0], $0xffff  }
0xa6: {  	v62 =	vld.idx.msk [tilespmem:v61+s8+$0x0], $0xffff;
	_ =	sdelay $0x1  }
0xa7: {  	s28 =	ssub.s32 s29, s28;
	v10 =	vor.u32 v8, v10  }
0xa8: {  	p0 =	sne.s32 s28, $0x1;
	v63 =	vor.u32 s30, v9  }
.Ltmp7:
0xa9: {  	_ = 	snop;
	(pc) =	sbr.rel @!p0 .LBB2_7-.Ltmp7, $4  }
0xaa: {  	v11 =	vpsel p1, v62, v11  }
0xab: {  	[tilespmem:s26+$0x0] =	vst v11  }
0xac: {  	v10 =	vld.idx.msk [tilespmem:v10+s14+$0x0], $0xffff  }
0xad: {  	s28 =	sadd.s32 $0xFFFFFFFF, s28;
	s29 =	smov.u32 s26;
	v11 =	vld.idx.msk [tilespmem:v63+s8+$0x0], $0xffff  }
.LBB2_6:
0xae: {  	_ =	sdelay $0x1  }
0xaf: {  	p0 =	sne.s32 s28, $0x1;
	s24 =	sadd.s32 $0x1, s24;
	s29 =	sadd.s32 $0x80, s29  }
0xb0: {  	s28 =	sadd.s32 $0xFFFFFFFF, s28  }
0xb1: {  	v10 =	vpsel p1, v11, v10  }
0xb2: {  	[tilespmem:s26+$0x10] =	vst v10;
	s26 =	smov.u32 s29  }
0xb3: {  	v10 =	vld [tilespmem:s24+$0x0];
	_ =	sdelay $0x4  }
0xb4: {  	(v2sf) =	vpush v10, $0x0;
	_ =	sdelay $0xe  }
0xb5: {  	s30 =	spop (v2sf)  }
0xb6: {  	s31 =	ssub.s32 s30, s25;
	s1 =	sadd.s32 $0xFFF0BE00, s30  }
0xb7: {  	p1 =	sgt.s32 s31, $0x0;
	p2 =	sgt.s32 s1, $0x0  }
0xb8: {  	s31 =	simm.s32 @!p1 $0x0;
	s1 =	simm.s32 @!p2 $0x0  }
0xb9: {  	s31 =	smin.u32 s31, $0xFF;
	s1 =	smin.u32 s1, $0x3F  }
0xba: {  	v10 =	vmov s31;
	v11 =	vor.u32 s1, v3  }
0xbb: {  	v12 =	vshll.u32 v10, $0x3  }
0xbc: {  	v10 =	vand.u32 $0x7F, v10;
	v12 =	vand.u32 $0x400, v12  }
0xbd: {  	v10 =	vor.u32 v10, v12  }
0xbe: {  	v12 =	vor.u32 v2, v10;
	_ =	sdelay $0x3  }
0xbf: {  	v11 =	vld.idx.msk [tilespmem:v11+s8+$0x0], $0xffff  }
0xc0: {  	v12 =	vld.idx.msk [tilespmem:v12+s14+$0x0], $0xffff;
	_ =	sdelay $0x2  }
0xc1: {  	v14 =	vor.u32 s1, v5;
	v13 =	vor.u32 v4, v10;
	_ =	sdelay $0x1  }
0xc2: {  	p1 =	sgt.s32 s30, $0xF41FF  }
0xc3: {  	v11 =	vpsel p1, v11, v12  }
0xc4: {  	[tilespmem:s29+$0xFFFFFFE0] =	vst v11  }
0xc5: {  	v11 =	vld.idx.msk [tilespmem:v13+s14+$0x0], $0xffff  }
0xc6: {  	v12 =	vld.idx.msk [tilespmem:v14+s8+$0x0], $0xffff;
	_ =	sdelay $0x2  }
0xc7: {  	v13 =	vor.u32 v6, v10;
	v14 =	vor.u32 s1, v7;
	_ =	sdelay $0x2  }
0xc8: {  	v11 =	vpsel p1, v12, v11  }
0xc9: {  	[tilespmem:s29+$0xFFFFFFF0] =	vst v11  }
0xca: {  	v11 =	vld.idx.msk [tilespmem:v13+s14+$0x0], $0xffff  }
0xcb: {  	v12 =	vld.idx.msk [tilespmem:v14+s8+$0x0], $0xffff;
	_ =	sdelay $0x2  }
0xcc: {  	v10 =	vor.u32 v8, v10;
	v13 =	vor.u32 s1, v9;
	_ =	sdelay $0x1  }
.Ltmp8:
0xcd: {  	(pc) =	sbr.rel @p0 .LBB2_6-.Ltmp8, $4  }
0xce: {  	v11 =	vpsel p1, v12, v11  }
0xcf: {  	[tilespmem:s29+$0x0] =	vst v11  }
0xd0: {  	v10 =	vld.idx.msk [tilespmem:v10+s14+$0x0], $0xffff  }
0xd1: {  	v11 =	vld.idx.msk [tilespmem:v13+s8+$0x0], $0xffff  }
.LBB2_7:
0xd2: {  	_ =	sdelay $0x3  }
0xd3: {  	v10 =	vpsel p1, v11, v10  }
0xd4: {  	[tilespmem:s26+$0x10] =	vst v10  }
.LBB2_8:
0xd5: {  	s1 =	sadd.s32 $0x1, s23  }
0xd6: {  	p0 =	sge.s32 s1, s20  }
0xd7: {  	s24 =	simm.s32 @!p0 $0x2  }
0xd8: {  	s25 =	sadd.s32 @!p0 $0x3, s23;
	_ =	swait.ge @!p0 [sflag:s24], $0x4000  }
0xd9: {  	p1 =	sge.s32 @!p0 s25, s20;
	[sflag:s24] =	ssyncset.done @!p0 $0x0  }
0xda: {  	p1 =	por p1, p0;
	[sflag:s24] =	ssyncadd.s32 @!p0 $0xFFFFC000  }
0xdb: {  	v10 =	vld @!p1 [tilespmem:s25+$0x280];
	_ =	sdelay $0x4  }
0xdc: {  	(v2sf) =	vpush @!p1 v10, $0x0;
	_ =	sdelay $0xe  }
0xdd: {  	s24 =	spop @!p1 (v2sf)  }
0xde: {  	s24 =	sshll.u32 @!p1 s24, $0x7  }
0xdf: {  	s26 =	simm.s32 @!p1 $0x7A1400;
	s24 =	sand.u32 @!p1 $0x1FFFFF80, s24  }
0xe0: {  	s28 =	simm.s32 @!p1 $0x2780;
	s25 =	simm.s32 @!p1 $0x800;
	s24 =	sadd.s32 @!p1 s0, s24  }
0xe1: {  	[tilespmem:s28], [sflag:$0x1] =	stream.strided.gather @!p1 [hbm4b:s24+s25], $0x4000, s26, s25, $0x38;
	[tilespmem:$0x1E780] =	vst v63  }
0xe2: {  	v10 =	vld @!p0 [tilespmem:s1+$0x280]  }
0xe3: {  	v11 =	vld @!p0 [tilespmem:s1+$0x500]  }
0xe4: {  	v12 =	vld @!p0 [tilespmem:s23+$0x502];
	_ =	sdelay $0x2  }
0xe5: {  	(v2sf) =	vpush @!p0 v10, $0x0  }
0xe6: {  	(v2sf) =	vpush @!p0 v11, $0x0  }
0xe7: {  	(v2sf) =	vpush @!p0 v12, $0x0;
	_ =	sdelay $0xc  }
0xe8: {  	s25 =	spop @!p0 (v2sf)  }
0xe9: {  	s28 =	spop @!p0 (v2sf)  }
0xea: {  	s29 =	spop @!p0 (v2sf)  }
0xeb: {  	p1 =	sle.s32 @!p0 s29, s28  }
0xec: {  	p1 =	por p0, p1  }
.Ltmp9:
0xed: {  	_ = 	snop;
	(pc) =	sbr.rel @p1 .LBB2_12-.Ltmp9, $1  }
0xee: {  	_ =	sdelay $0x3  }
0xef: {  	s1 =	sshll.u32 s28, $0x2  }
0xf0: {  	s24 =	sshra.s32 s1, $0x2  }
0xf1: {  	v10 =	vld [tilespmem:s24+$0x0];
	_ =	sdelay $0x4  }
0xf2: {  	(v2sf) =	vpush v10, $0x0;
	_ =	sdelay $0xe  }
0xf3: {  	s25 =	sshll.u32 @!p0 s25, $0x7;
	s1 =	spop (v2sf)  }
0xf4: {  	s26 =	ssub.s32 s1, s25  }
0xf5: {  	p0 =	sgt.s32 s26, $0x0  }
0xf6: {  	s26 =	simm.s32 @!p0 $0x0  }
0xf7: {  	s30 =	sadd.s32 $0xFFF0BE00, s1;
	s26 =	smin.u32 s26, $0xFF  }
0xf8: {  	p0 =	sgt.s32 s30, $0x0;
	v10 =	vmov s26  }
0xf9: {  	s30 =	simm.s32 @!p0 $0x0;
	v11 =	vshll.u32 v10, $0x3  }
0xfa: {  	s30 =	smin.u32 s30, $0x3F;
	v10 =	vand.u32 $0x7F, v10;
	v11 =	vand.u32 $0x400, v11  }
0xfb: {  	v12 =	vor.u32 s30, v3;
	v10 =	vor.u32 v10, v11  }
0xfc: {  	v11 =	vor.u32 v2, v10;
	_ =	sdelay $0x3  }
0xfd: {  	v12 =	vld.idx.msk [tilespmem:v12+s8+$0x0], $0xffff  }
0xfe: {  	v11 =	vld.idx.msk [tilespmem:v11+s16+$0x0], $0xffff;
	_ =	sdelay $0x1  }
0xff: {  	v13 =	vor.u32 v4, v10  }
0x100: {  	s31 =	sshll.u32 s28, $0x9;
	v14 =	vor.u32 s30, v5  }
0x101: {  	p1 =	sgt.s32 s1, $0xF41FF;
	s26 =	sshra.s32 s31, $0x2  }
0x102: {  	s26 =	sadd.s32 $0xE7A0, s26;
	v11 =	vpsel p1, v12, v11  }
0x103: {  	[tilespmem:s26+$0xFFFFFFE0] =	vst v11  }
0x104: {  	v11 =	vld.idx.msk [tilespmem:v13+s16+$0x0], $0xffff  }
0x105: {  	v59 =	vld.idx.msk [tilespmem:v14+s8+$0x0], $0xffff;
	_ =	sdelay $0x1  }
0x106: {  	v60 =	vor.u32 v6, v10  }
0x107: {  	v61 =	vor.u32 s30, v7;
	_ =	sdelay $0x1  }
0x108: {  	v11 =	vpsel p1, v59, v11  }
0x109: {  	[tilespmem:s26+$0xFFFFFFF0] =	vst v11  }
0x10a: {  	v11 =	vld.idx.msk [tilespmem:v60+s16+$0x0], $0xffff  }
0x10b: {  	v62 =	vld.idx.msk [tilespmem:v61+s8+$0x0], $0xffff;
	_ =	sdelay $0x1  }
0x10c: {  	s31 =	ssub.s32 s29, s28;
	v10 =	vor.u32 v8, v10  }
0x10d: {  	v63 =	vor.u32 s30, v9;
	p0 =	sne.s32 s31, $0x1  }
.Ltmp10:
0x10e: {  	_ = 	snop;
	(pc) =	sbr.rel @!p0 .LBB2_11-.Ltmp10, $4  }
0x10f: {  	v11 =	vpsel p1, v62, v11  }
0x110: {  	[tilespmem:s26+$0x0] =	vst v11  }
0x111: {  	v10 =	vld.idx.msk [tilespmem:v10+s16+$0x0], $0xffff  }
0x112: {  	s28 =	sadd.s32 $0xFFFFFFFF, s31;
	s29 =	smov.u32 s26;
	v11 =	vld.idx.msk [tilespmem:v63+s8+$0x0], $0xffff  }
.LBB2_10:
0x113: {  	_ =	sdelay $0x1  }
0x114: {  	p0 =	sne.s32 s28, $0x1;
	s24 =	sadd.s32 $0x1, s24;
	s29 =	sadd.s32 $0x80, s29  }
0x115: {  	s28 =	sadd.s32 $0xFFFFFFFF, s28  }
0x116: {  	v10 =	vpsel p1, v11, v10  }
0x117: {  	[tilespmem:s26+$0x10] =	vst v10;
	s26 =	smov.u32 s29  }
0x118: {  	v10 =	vld [tilespmem:s24+$0x0];
	_ =	sdelay $0x4  }
0x119: {  	(v2sf) =	vpush v10, $0x0;
	_ =	sdelay $0xe  }
0x11a: {  	s1 =	spop (v2sf)  }
0x11b: {  	s30 =	ssub.s32 s1, s25;
	s31 =	sadd.s32 $0xFFF0BE00, s1  }
0x11c: {  	p1 =	sgt.s32 s30, $0x0;
	p2 =	sgt.s32 s31, $0x0  }
0x11d: {  	s30 =	simm.s32 @!p1 $0x0;
	s31 =	simm.s32 @!p2 $0x0  }
0x11e: {  	s30 =	smin.u32 s30, $0xFF;
	s31 =	smin.u32 s31, $0x3F  }
0x11f: {  	v10 =	vmov s30;
	v11 =	vor.u32 s31, v3  }
0x120: {  	v12 =	vshll.u32 v10, $0x3  }
0x121: {  	v10 =	vand.u32 $0x7F, v10;
	v12 =	vand.u32 $0x400, v12  }
0x122: {  	v10 =	vor.u32 v10, v12  }
0x123: {  	v12 =	vor.u32 v2, v10;
	_ =	sdelay $0x3  }
0x124: {  	v11 =	vld.idx.msk [tilespmem:v11+s8+$0x0], $0xffff  }
0x125: {  	v12 =	vld.idx.msk [tilespmem:v12+s16+$0x0], $0xffff;
	_ =	sdelay $0x2  }
0x126: {  	v14 =	vor.u32 s31, v5;
	v13 =	vor.u32 v4, v10;
	_ =	sdelay $0x1  }
0x127: {  	p1 =	sgt.s32 s1, $0xF41FF  }
0x128: {  	v11 =	vpsel p1, v11, v12  }
0x129: {  	[tilespmem:s29+$0xFFFFFFE0] =	vst v11  }
0x12a: {  	v11 =	vld.idx.msk [tilespmem:v13+s16+$0x0], $0xffff  }
0x12b: {  	v12 =	vld.idx.msk [tilespmem:v14+s8+$0x0], $0xffff;
	_ =	sdelay $0x2  }
0x12c: {  	v13 =	vor.u32 v6, v10;
	v14 =	vor.u32 s31, v7;
	_ =	sdelay $0x2  }
0x12d: {  	v11 =	vpsel p1, v12, v11  }
0x12e: {  	[tilespmem:s29+$0xFFFFFFF0] =	vst v11  }
0x12f: {  	v11 =	vld.idx.msk [tilespmem:v13+s16+$0x0], $0xffff  }
0x130: {  	v12 =	vld.idx.msk [tilespmem:v14+s8+$0x0], $0xffff;
	_ =	sdelay $0x2  }
0x131: {  	v10 =	vor.u32 v8, v10;
	v13 =	vor.u32 s31, v9;
	_ =	sdelay $0x1  }
.Ltmp11:
0x132: {  	(pc) =	sbr.rel @p0 .LBB2_10-.Ltmp11, $4  }
0x133: {  	v11 =	vpsel p1, v12, v11  }
0x134: {  	[tilespmem:s29+$0x0] =	vst v11  }
0x135: {  	v10 =	vld.idx.msk [tilespmem:v10+s16+$0x0], $0xffff  }
0x136: {  	v11 =	vld.idx.msk [tilespmem:v13+s8+$0x0], $0xffff  }
.LBB2_11:
0x137: {  	_ =	sdelay $0x3  }
0x138: {  	v10 =	vpsel p1, v11, v10  }
0x139: {  	[tilespmem:s26+$0x10] =	vst v10  }
.LBB2_12:
0x13a: {  	s1 =	sadd.s32 $0x2, s23  }
0x13b: {  	p0 =	sge.s32 s1, s20  }
0x13c: {  	s24 =	simm.s32 @!p0 $0x3  }
0x13d: {  	s25 =	sadd.s32 @!p0 $0x4, s23;
	_ =	swait.ge @!p0 [sflag:s24], $0x4000  }
0x13e: {  	p1 =	sge.s32 @!p0 s25, s20;
	[sflag:s24] =	ssyncset.done @!p0 $0x0  }
0x13f: {  	p1 =	por p1, p0;
	[sflag:s24] =	ssyncadd.s32 @!p0 $0xFFFFC000  }
0x140: {  	v10 =	vld @!p1 [tilespmem:s25+$0x280];
	_ =	sdelay $0x4  }
0x141: {  	(v2sf) =	vpush @!p1 v10, $0x0;
	_ =	sdelay $0xe  }
0x142: {  	s24 =	spop @!p1 (v2sf)  }
0x143: {  	s24 =	sshll.u32 @!p1 s24, $0x7  }
0x144: {  	s26 =	simm.s32 @!p1 $0x7A1400;
	s24 =	sand.u32 @!p1 $0x1FFFFF80, s24  }
0x145: {  	s28 =	simm.s32 @!p1 $0x6780;
	s25 =	simm.s32 @!p1 $0x800;
	s24 =	sadd.s32 @!p1 s0, s24  }
0x146: {  	[tilespmem:s28], [sflag:$0x2] =	stream.strided.gather @!p1 [hbm4b:s24+s25], $0x4000, s26, s25, $0x38;
	[tilespmem:$0x1E780] =	vst v63  }
0x147: {  	v10 =	vld @!p0 [tilespmem:s1+$0x280]  }
0x148: {  	v11 =	vld @!p0 [tilespmem:s1+$0x500]  }
0x149: {  	v12 =	vld @!p0 [tilespmem:s23+$0x503];
	_ =	sdelay $0x2  }
0x14a: {  	(v2sf) =	vpush @!p0 v10, $0x0  }
0x14b: {  	(v2sf) =	vpush @!p0 v11, $0x0  }
0x14c: {  	(v2sf) =	vpush @!p0 v12, $0x0;
	_ =	sdelay $0xc  }
0x14d: {  	s24 =	spop @!p0 (v2sf)  }
0x14e: {  	s26 =	spop @!p0 (v2sf)  }
0x14f: {  	s28 =	spop @!p0 (v2sf)  }
0x150: {  	p1 =	sle.s32 @!p0 s28, s26  }
0x151: {  	p1 =	por p0, p1  }
.Ltmp12:
0x152: {  	_ = 	snop;
	(pc) =	sbr.rel @p1 .LBB2_16-.Ltmp12, $1  }
0x153: {  	_ =	sdelay $0x3  }
0x154: {  	s1 =	sshll.u32 s26, $0x2  }
0x155: {  	s23 =	sshra.s32 s1, $0x2  }
0x156: {  	v10 =	vld [tilespmem:s23+$0x0];
	_ =	sdelay $0x4  }
0x157: {  	(v2sf) =	vpush v10, $0x0;
	_ =	sdelay $0xe  }
0x158: {  	s24 =	sshll.u32 @!p0 s24, $0x7;
	s31 =	spop (v2sf)  }
0x159: {  	s25 =	ssub.s32 s31, s24  }
0x15a: {  	p0 =	sgt.s32 s25, $0x0  }
0x15b: {  	s25 =	simm.s32 @!p0 $0x0  }
0x15c: {  	s29 =	sadd.s32 $0xFFF0BE00, s31;
	s25 =	smin.u32 s25, $0xFF  }
0x15d: {  	p0 =	sgt.s32 s29, $0x0;
	v10 =	vmov s25  }
0x15e: {  	s29 =	simm.s32 @!p0 $0x0;
	v11 =	vshll.u32 v10, $0x3  }
0x15f: {  	s29 =	smin.u32 s29, $0x3F;
	v10 =	vand.u32 $0x7F, v10;
	v11 =	vand.u32 $0x400, v11  }
0x160: {  	v12 =	vor.u32 s29, v3;
	v10 =	vor.u32 v10, v11  }
0x161: {  	v11 =	vor.u32 v2, v10;
	_ =	sdelay $0x3  }
0x162: {  	v12 =	vld.idx.msk [tilespmem:v12+s8+$0x0], $0xffff  }
0x163: {  	v11 =	vld.idx.msk [tilespmem:v11+s17+$0x0], $0xffff;
	_ =	sdelay $0x1  }
0x164: {  	v13 =	vor.u32 v4, v10  }
0x165: {  	s30 =	sshll.u32 s26, $0x9;
	v14 =	vor.u32 s29, v5  }
0x166: {  	p1 =	sgt.s32 s31, $0xF41FF;
	s25 =	sshra.s32 s30, $0x2  }
0x167: {  	s25 =	sadd.s32 $0xE7A0, s25;
	v11 =	vpsel p1, v12, v11  }
0x168: {  	[tilespmem:s25+$0xFFFFFFE0] =	vst v11  }
0x169: {  	v11 =	vld.idx.msk [tilespmem:v13+s17+$0x0], $0xffff  }
0x16a: {  	v59 =	vld.idx.msk [tilespmem:v14+s8+$0x0], $0xffff;
	_ =	sdelay $0x1  }
0x16b: {  	v60 =	vor.u32 v6, v10  }
0x16c: {  	v61 =	vor.u32 s29, v7;
	_ =	sdelay $0x1  }
0x16d: {  	v11 =	vpsel p1, v59, v11  }
0x16e: {  	[tilespmem:s25+$0xFFFFFFF0] =	vst v11  }
0x16f: {  	v11 =	vld.idx.msk [tilespmem:v60+s17+$0x0], $0xffff  }
0x170: {  	v62 =	vld.idx.msk [tilespmem:v61+s8+$0x0], $0xffff;
	_ =	sdelay $0x1  }
0x171: {  	v10 =	vor.u32 v8, v10  }
0x172: {  	v63 =	vor.u32 s29, v9;
	_ =	sdelay $0x1  }
0x173: {  	v11 =	vpsel p1, v62, v11  }
0x174: {  	s31 =	ssub.s32 s28, s26;
	[tilespmem:s25+$0x0] =	vst v11  }
0x175: {  	p0 =	sne.s32 s31, $0x1;
	v10 =	vld.idx.msk [tilespmem:v10+s17+$0x0], $0xffff  }
.Ltmp13:
0x176: {  	v11 =	vld.idx.msk [tilespmem:v63+s8+$0x0], $0xffff;
	(pc) =	sbr.rel @!p0 .LBB2_15-.Ltmp13, $2  }
0x177: {  	_ =	sdelay $0x2  }
0x178: {  	s26 =	sadd.s32 $0xFFFFFFFF, s31;
	s28 =	smov.u32 s25  }
.LBB2_14:
0x179: {  	p0 =	sne.s32 s26, $0x1;
	s23 =	sadd.s32 $0x1, s23;
	s28 =	sadd.s32 $0x80, s28  }
0x17a: {  	s26 =	sadd.s32 $0xFFFFFFFF, s26  }
0x17b: {  	v10 =	vpsel p1, v11, v10  }
0x17c: {  	[tilespmem:s25+$0x10] =	vst v10;
	s25 =	smov.u32 s28  }
0x17d: {  	v10 =	vld [tilespmem:s23+$0x0];
	_ =	sdelay $0x4  }
0x17e: {  	(v2sf) =	vpush v10, $0x0;
	_ =	sdelay $0xe  }
0x17f: {  	s1 =	spop (v2sf)  }
0x180: {  	s29 =	ssub.s32 s1, s24;
	s30 =	sadd.s32 $0xFFF0BE00, s1  }
0x181: {  	p1 =	sgt.s32 s29, $0x0;
	p2 =	sgt.s32 s30, $0x0  }
0x182: {  	s29 =	simm.s32 @!p1 $0x0;
	s30 =	simm.s32 @!p2 $0x0  }
0x183: {  	s29 =	smin.u32 s29, $0xFF;
	s30 =	smin.u32 s30, $0x3F  }
0x184: {  	v10 =	vmov s29;
	v11 =	vor.u32 s30, v3  }
0x185: {  	v12 =	vshll.u32 v10, $0x3  }
0x186: {  	v10 =	vand.u32 $0x7F, v10;
	v12 =	vand.u32 $0x400, v12  }
0x187: {  	v10 =	vor.u32 v10, v12  }
0x188: {  	v12 =	vor.u32 v2, v10;
	_ =	sdelay $0x3  }
0x189: {  	v11 =	vld.idx.msk [tilespmem:v11+s8+$0x0], $0xffff  }
0x18a: {  	v12 =	vld.idx.msk [tilespmem:v12+s17+$0x0], $0xffff;
	_ =	sdelay $0x2  }
0x18b: {  	v14 =	vor.u32 s30, v5;
	v13 =	vor.u32 v4, v10;
	_ =	sdelay $0x1  }
0x18c: {  	p1 =	sgt.s32 s1, $0xF41FF  }
0x18d: {  	v11 =	vpsel p1, v11, v12  }
0x18e: {  	[tilespmem:s28+$0xFFFFFFE0] =	vst v11  }
0x18f: {  	v11 =	vld.idx.msk [tilespmem:v13+s17+$0x0], $0xffff  }
0x190: {  	v12 =	vld.idx.msk [tilespmem:v14+s8+$0x0], $0xffff;
	_ =	sdelay $0x2  }
0x191: {  	v13 =	vor.u32 v6, v10;
	v14 =	vor.u32 s30, v7;
	_ =	sdelay $0x2  }
0x192: {  	v11 =	vpsel p1, v12, v11  }
0x193: {  	[tilespmem:s28+$0xFFFFFFF0] =	vst v11  }
0x194: {  	v11 =	vld.idx.msk [tilespmem:v13+s17+$0x0], $0xffff  }
0x195: {  	v12 =	vld.idx.msk [tilespmem:v14+s8+$0x0], $0xffff;
	_ =	sdelay $0x2  }
0x196: {  	v10 =	vor.u32 v8, v10;
	v13 =	vor.u32 s30, v9;
	_ =	sdelay $0x1  }
.Ltmp14:
0x197: {  	(pc) =	sbr.rel @p0 .LBB2_14-.Ltmp14, $4  }
0x198: {  	v11 =	vpsel p1, v12, v11  }
0x199: {  	[tilespmem:s28+$0x0] =	vst v11  }
0x19a: {  	v10 =	vld.idx.msk [tilespmem:v10+s17+$0x0], $0xffff  }
0x19b: {  	v11 =	vld.idx.msk [tilespmem:v13+s8+$0x0], $0xffff  }
.Ltmp15:
0x19c: {  	_ = 	snop;
	(pc) =	sbr.rel .LBB2_15-.Ltmp15, $1  }
0x19d: {  	_ =	sdelay $0x3  }
.LBB2_18:
0x19e: {  	_ =	sfence.sel $0x180000  }
0x19f: {  	[bflag:$0x0] =	sbarrier.arrive $0xFFFF  }
0x1a0: {  	_ =	strace $0x90000047  }
0x1a1: {  	[bflag:$0x2] =	sbarrier.arrive $0xFFFF  }
0x1a2: {  	p0 =	sne.s32 s3, $0x0;
	s0 =	rddreg [dreg:$0x3]  }
0x1a3: {  	s0 =	sadd.s32 @!p0 $0x100000, s0  }
0x1a4: {  	[sflag:s0] =	ssyncadd.tile.s32 @!p0 $0x1;
	_ =	shalt  }
.Lfunc_end2:
_tile_overlayer_lowered:
.L_overlay_start_2:
0x1a5: {  	(tag) =	ssettag $0x2  }
0x1a6: {  	s0 =	rddreg [dreg:$0x0];
	s2 =	stileid.u32  }
0x1a7: {  	s1 =	rddreg [dreg:$0x1];
	p0 =	sne.s32 s2, $0x0  }
0x1a8: {  	s3 =	rddreg [dreg:$0x2];
	[bflag:$0x3] =	sbarrier.arrive $0xFFFF;
	s2 =	simm.s32 @!p0 $0x1C04  }
0x1a9: {  	[timem:s3], [sflag:s2] =	dma.local @!p0 [hbm:s0], s1  }
0x1aa: {  	s0 =	simm.s32 @!p0 $0x4  }
0x1ab: {  	_ =	swait.ge @!p0 [sflag:s0], s1  }
0x1ac: {  	s1 =	ssub.s32 @!p0 $0x0, s1;
	[sflag:s0] =	ssyncset.done @!p0 $0x0  }
0x1ad: {  	[sflag:s0] =	ssyncadd.s32 @!p0 s1  }
0x1ae: {  	[bflag:$0x3] =	sbarrier.arrive $0xFFFF  }
0x1af: {  	_ =	shalt  }

</sc_bundles>
